<compile_context>
chip_gen: v7x
topology: tpu7x:2x2x1
jax: 0.10.2.dev20260603
libtpu: 0.0.44.dev20260713+nightly
codegen_flags: <defaults>
</compile_context>

<pallas_src>
import functools

import jax
import jax.numpy as jnp
from jax import lax
from jax.experimental import pallas as pl
from jax.experimental.pallas import tpu as pltpu
from jax.experimental.pallas import tpu_sc as plsc

INT_MIN = jnp.iinfo(jnp.int32).min



@functools.lru_cache(maxsize=None)
def _make_gather(V, D, N):
    info = plsc.get_sparse_core_info()
    NC, NS = info.num_cores, info.num_subcores
    NW = NC * NS
    assert N % NW == 0
    n_per_w = N // NW
    CH = 32
    assert n_per_w % CH == 0
    n_ch = n_per_w // CH
    mesh = plsc.VectorSubcoreMesh(core_axis_name="c", subcore_axis_name="s")

    @functools.partial(
        pl.kernel,
        mesh=mesh,
        out_type=jax.ShapeDtypeStruct((N, D), jnp.float32),
        scratch_types=[
            pltpu.VMEM((n_ch, CH), jnp.int32),
            pltpu.VMEM((CH, D), jnp.float32),
            pltpu.VMEM((CH, D), jnp.float32),
            pltpu.SemaphoreType.DMA,
            pltpu.SemaphoreType.DMA,
            pltpu.SemaphoreType.DMA,
            pltpu.SemaphoreType.DMA,
        ],
    )
    def k(table_hbm, idx_hbm, out_hbm, idx_v, r0, r1, g0, g1, w0, w1):
        wid = lax.axis_index("s") * NC + lax.axis_index("c")
        pltpu.sync_copy(idx_hbm.at[wid], idx_v)
        base = wid * n_per_w
        bufs, gsem, wsem = (r0, r1), (g0, g1), (w0, w1)

        gh = [None] * n_ch
        gh[0] = pltpu.async_copy(table_hbm.at[idx_v.at[0]], bufs[0], gsem[0])
        for j in range(n_ch):
            b = j % 2
            gh[j].wait()
            if j + 1 < n_ch:
                nb = (j + 1) % 2
                gh[j + 1] = pltpu.async_copy(
                    table_hbm.at[idx_v.at[j + 1]], bufs[nb], gsem[nb])
            pltpu.sync_copy(bufs[b], out_hbm.at[pl.ds(base + j * CH, CH)])

    def run(weight, ids_flat):
        idx3 = ids_flat.reshape(NW, n_ch, CH)
        return k(weight, idx3)

    return run



def _mask_body(pad_ref, out_ref):
    r = pl.program_id(1)
    R, S = out_ref.shape[2], out_ref.shape[3]
    rows = r * R + lax.broadcasted_iota(jnp.int32, (R, 1), 0)
    cols = lax.broadcasted_iota(jnp.int32, (1, S), 1)
    bad = pad_ref[0, 0, :][None, :] == 0
    cond = (cols > rows) | bad
    out_ref[0, 0] = jnp.where(cond, jnp.int32(INT_MIN), jnp.int32(0))


@functools.lru_cache(maxsize=None)
def _make_mask(Bsz, S):
    R = 256
    return pl.pallas_call(
        _mask_body,
        grid=(Bsz, S // R),
        in_specs=[pl.BlockSpec((1, 1, S), lambda b, r: (b, 0, 0))],
        out_specs=pl.BlockSpec((1, 1, R, S), lambda b, r: (b, 0, r, 0)),
        out_shape=jax.ShapeDtypeStruct((Bsz, 1, S, S), jnp.int32),
    )



def kernel(input_ids, attention_mask, position_ids, labels, weight):
    V, D = weight.shape
    Bsz, S = input_ids.shape
    ids = jnp.clip(input_ids.astype(jnp.int32), 0, V - 1)
    hs = _make_gather(V, D, Bsz * S)(weight, ids.reshape(-1))
    hidden_states = hs.reshape(Bsz, S, D)
    mask = _make_mask(Bsz, S)(attention_mask.astype(jnp.int32).reshape(Bsz, 1, S))
    return (
        hidden_states,
        mask,
        position_ids.astype(jnp.int32),
        jnp.clip(labels.astype(jnp.int32), -100, V - 1),
    )

# --- scband reference (transcript-rebuilt; emitter-appended) ---
"""Pipeline reference for scband-embedding-pipe-layer-17781164605796 (READ-ONLY COPY).

The authoritative reference and input builder live on the scoring server;
editing this copy changes nothing except your own understanding.
"""

import jax, jax.numpy as jnp
import numpy as np

VOCAB = 100000
DIM = 1024
B = 4
S = 2048


def setup_inputs(seed: int = 0) -> dict:
    key = jax.random.key(seed)
    k1, k2, k3, k4 = jax.random.split(key, 4)
    input_ids = jax.random.randint(k1, (B, S), 0, VOCAB)
    attention_mask = jnp.ones((B, S), dtype=jnp.int32)
    position_ids = jax.random.randint(k2, (B, S), 0, S)
    labels = jax.random.randint(k3, (B, S), 0, VOCAB)
    weight = jax.random.normal(k4, (VOCAB, DIM), dtype=jnp.float32) * 0.02
    return {
        "input_ids": input_ids,
        "attention_mask": attention_mask,
        "position_ids": position_ids,
        "labels": labels,
        "weight": weight,
    }


def _prepare_4d_causal_attention_mask(attention_mask, bsz, seq_len, dtype):
    # Faithful re-implementation of HF's helper (past_kv_len=0, no sliding window):
    # causal lower-triangular mask filled with dtype-min in masked positions,
    # combined with the 2D padding mask expanded to [B, 1, S, S].
    neg = jnp.finfo(dtype).min
    i = jnp.arange(seq_len)[:, None]
    j = jnp.arange(seq_len)[None, :]
    causal = jnp.where(j > i, neg, jnp.array(0.0, dtype=dtype)).astype(dtype)
    causal = jnp.broadcast_to(causal[None, None, :, :], (bsz, 1, seq_len, seq_len))
    pad = attention_mask[:, None, None, :]
    mask = jnp.where(pad == 0, neg, causal)
    return mask


def reference(input_ids, attention_mask, position_ids, labels, weight):
    vocab_size = weight.shape[0]
    input_ids = jnp.clip(input_ids.astype(jnp.int32), 0, vocab_size - 1)
    position_ids = position_ids.astype(jnp.int32)
    labels = jnp.clip(labels.astype(jnp.int32), -100, vocab_size - 1)
    # Embedding lookup (SparseCore gather)
    hidden_states = jnp.take(weight, input_ids, axis=0)
    bsz, seq_len = input_ids.shape
    mask_f = _prepare_4d_causal_attention_mask(attention_mask, bsz, seq_len, hidden_states.dtype)
    # torch does attention_mask.to(dtype=torch.long); float-min -> int-min on cast.
    attention_mask_long = jnp.where(mask_f < 0, jnp.iinfo(jnp.int32).min, 0).astype(jnp.int32)
    return (hidden_states, attention_mask_long, position_ids, labels)

if __name__ == "__main__":
    import jax
    _d = setup_inputs()
    print(jax.jit(kernel)(*tuple(_d.values())))

</pallas_src>

<mosaic_0001>
#map = affine_map<(d0, d1) -> (0, 0)>
#map1 = affine_map<(d0, d1) -> (0, 0, 0)>
module attributes {stable_mosaic.version = 14 : i64} {
  func.func @k(%arg0: i32, %arg1: i32, %arg2: memref<100000x1024xf32, #tpu.memory_space<hbm>>, %arg3: memref<32x8x32xi32, #tpu.memory_space<hbm>>, %arg4: memref<8192x1024xf32, #tpu.memory_space<hbm>>, %arg5: memref<8x32xi32, #tpu.memory_space<vmem>>, %arg6: memref<32x1024xf32, #tpu.memory_space<vmem>>, %arg7: memref<32x1024xf32, #tpu.memory_space<vmem>>, %arg8: memref<!tpu.dma_semaphore, #tpu.memory_space<semaphore_mem>>, %arg9: memref<!tpu.dma_semaphore, #tpu.memory_space<semaphore_mem>>, %arg10: memref<!tpu.dma_semaphore, #tpu.memory_space<semaphore_mem>>, %arg11: memref<!tpu.dma_semaphore, #tpu.memory_space<semaphore_mem>>) attributes {dimension_semantics = [#tpu.dimension_semantics<core_parallel>, #tpu.dimension_semantics<subcore_parallel>], iteration_bounds = array<i64: 2, 16>, scalar_prefetch = 0 : i64, scratch_operands = 7 : i64, tpu.core_type = #tpu.core_type<sc_vector_subcore>, window_params = [{transform_indices = #map}, {transform_indices = #map1}, {transform_indices = #map}]} {
    %mul3A = arith.constant 2 : i32
    %mul3A_0 = arith.muli %arg1, %mul3A : i32
    %add3A = arith.addi %mul3A_0, %arg0 : i32
    "tpu.region"() ({
      %run_scoped3A = tpu.sem_alloc : memref<!tpu.dma_semaphore, #tpu.memory_space<semaphore_mem>>
      %dma_start3A_129 = arith.constant 0 : i32
      %dma_start3A_130 = arith.constant 0 : i32
      %dma_start3A_131 = tpu.memref_slice %arg3[%add3A, %dma_start3A_129, %dma_start3A_130] : memref<32x8x32xi32, #tpu.memory_space<hbm>> -> memref<1x8x32xi32, #tpu.memory_space<hbm>>
      %dma_start3A_132 = tpu.memref_squeeze %dma_start3A_131 : memref<1x8x32xi32, #tpu.memory_space<hbm>> -> memref<8x32xi32, #tpu.memory_space<hbm>>
      %dma_start3A_133 = arith.constant 0 : i32
      %dma_start3A_134 = arith.constant 0 : i32
      %dma_start3A_135 = tpu.memref_slice %arg3[%add3A, %dma_start3A_133, %dma_start3A_134] : memref<32x8x32xi32, #tpu.memory_space<hbm>> -> memref<1x8x32xi32, #tpu.memory_space<hbm>>
      %dma_start3A_136 = tpu.memref_squeeze %dma_start3A_135 : memref<1x8x32xi32, #tpu.memory_space<hbm>> -> memref<8x32xi32, #tpu.memory_space<hbm>>
      tpu.enqueue_dma source(%dma_start3A_136 : memref<8x32xi32, #tpu.memory_space<hbm>>) target(%arg5 : memref<8x32xi32, #tpu.memory_space<vmem>>) target_semaphore(%run_scoped3A : memref<!tpu.dma_semaphore, #tpu.memory_space<semaphore_mem>>)
      %dma_wait3A_137 = arith.constant 0 : i32
      %dma_wait3A_138 = arith.constant 0 : i32
      %dma_wait3A_139 = tpu.memref_slice %arg3[%add3A, %dma_wait3A_137, %dma_wait3A_138] : memref<32x8x32xi32, #tpu.memory_space<hbm>> -> memref<1x8x32xi32, #tpu.memory_space<hbm>>
      %dma_wait3A_140 = tpu.memref_squeeze %dma_wait3A_139 : memref<1x8x32xi32, #tpu.memory_space<hbm>> -> memref<8x32xi32, #tpu.memory_space<hbm>>
      %dma_wait3A_141 = arith.constant 0 : i32
      %dma_wait3A_142 = arith.constant 0 : i32
      %dma_wait3A_143 = tpu.memref_slice %arg3[%add3A, %dma_wait3A_141, %dma_wait3A_142] : memref<32x8x32xi32, #tpu.memory_space<hbm>> -> memref<1x8x32xi32, #tpu.memory_space<hbm>>
      %dma_wait3A_144 = tpu.memref_squeeze %dma_wait3A_143 : memref<1x8x32xi32, #tpu.memory_space<hbm>> -> memref<8x32xi32, #tpu.memory_space<hbm>>
      tpu.wait_dma2 semaphore(%run_scoped3A : memref<!tpu.dma_semaphore, #tpu.memory_space<semaphore_mem>>) src(%dma_wait3A_144 : memref<8x32xi32, #tpu.memory_space<hbm>>) dst(%arg5 : memref<8x32xi32, #tpu.memory_space<vmem>>)
      tpu.yield
    }) : () -> ()
    %mul3A_1 = arith.constant 256 : i32
    %mul3A_2 = arith.muli %add3A, %mul3A_1 : i32
    %dma_start3A = arith.constant 0 : i32
    %dma_start3A_3 = arith.constant 0 : i32
    %dma_start3A_4 = tpu.memref_slice %arg5[%dma_start3A, %dma_start3A_3] : memref<8x32xi32, #tpu.memory_space<vmem>> -> memref<1x32xi32, #tpu.memory_space<vmem>>
    %dma_start3A_5 = tpu.memref_squeeze %dma_start3A_4 : memref<1x32xi32, #tpu.memory_space<vmem>> -> memref<32xi32, #tpu.memory_space<vmem>>
    %dma_start3A_6 = arith.constant 0 : i32
    %dma_start3A_7 = arith.constant 0 : i32
    %dma_start3A_8 = tpu.memref_slice %arg2[%dma_start3A_6, %dma_start3A_7] : memref<100000x1024xf32, #tpu.memory_space<hbm>> -> memref<100000x1024xf32, #tpu.memory_space<hbm>>
    tpu.enqueue_indirect_dma source(%dma_start3A_8 : memref<100000x1024xf32, #tpu.memory_space<hbm>>) target(%arg6 : memref<32x1024xf32, #tpu.memory_space<vmem>>) offsets(%dma_start3A_5 : memref<32xi32, #tpu.memory_space<vmem>>) semaphore(%arg8 : memref<!tpu.dma_semaphore, #tpu.memory_space<semaphore_mem>>)
    %dma_wait3A = arith.constant 0 : i32
    %dma_wait3A_9 = arith.constant 0 : i32
    %dma_wait3A_10 = tpu.memref_slice %arg5[%dma_wait3A, %dma_wait3A_9] : memref<8x32xi32, #tpu.memory_space<vmem>> -> memref<1x32xi32, #tpu.memory_space<vmem>>
    %dma_wait3A_11 = tpu.memref_squeeze %dma_wait3A_10 : memref<1x32xi32, #tpu.memory_space<vmem>> -> memref<32xi32, #tpu.memory_space<vmem>>
    %dma_wait3A_12 = arith.constant 0 : i32
    %dma_wait3A_13 = arith.constant 0 : i32
    %dma_wait3A_14 = tpu.memref_slice %arg2[%dma_wait3A_12, %dma_wait3A_13] : memref<100000x1024xf32, #tpu.memory_space<hbm>> -> memref<100000x1024xf32, #tpu.memory_space<hbm>>
    tpu.wait_indirect_dma semaphore(%arg8 : memref<!tpu.dma_semaphore, #tpu.memory_space<semaphore_mem>>) src(%dma_wait3A_14 : memref<100000x1024xf32, #tpu.memory_space<hbm>>) dst(%arg6 : memref<32x1024xf32, #tpu.memory_space<vmem>>)
    %dma_start3A_15 = arith.constant 1 : i32
    %dma_start3A_16 = arith.constant 0 : i32
    %dma_start3A_17 = tpu.memref_slice %arg5[%dma_start3A_15, %dma_start3A_16] : memref<8x32xi32, #tpu.memory_space<vmem>> -> memref<1x32xi32, #tpu.memory_space<vmem>>
    %dma_start3A_18 = tpu.memref_squeeze %dma_start3A_17 : memref<1x32xi32, #tpu.memory_space<vmem>> -> memref<32xi32, #tpu.memory_space<vmem>>
    %dma_start3A_19 = arith.constant 0 : i32
    %dma_start3A_20 = arith.constant 0 : i32
    %dma_start3A_21 = tpu.memref_slice %arg2[%dma_start3A_19, %dma_start3A_20] : memref<100000x1024xf32, #tpu.memory_space<hbm>> -> memref<100000x1024xf32, #tpu.memory_space<hbm>>
    tpu.enqueue_indirect_dma source(%dma_start3A_21 : memref<100000x1024xf32, #tpu.memory_space<hbm>>) target(%arg7 : memref<32x1024xf32, #tpu.memory_space<vmem>>) offsets(%dma_start3A_18 : memref<32xi32, #tpu.memory_space<vmem>>) semaphore(%arg9 : memref<!tpu.dma_semaphore, #tpu.memory_space<semaphore_mem>>)
    %add3A_22 = arith.constant 0 : i32
    %add3A_23 = arith.addi %mul3A_2, %add3A_22 : i32
    "tpu.region"() ({
      %run_scoped3A = tpu.sem_alloc : memref<!tpu.dma_semaphore, #tpu.memory_space<semaphore_mem>>
      %dma_start3A_129 = arith.constant 0 : i32
      %dma_start3A_130 = tpu.memref_slice %arg4[%add3A_23, %dma_start3A_129] : memref<8192x1024xf32, #tpu.memory_space<hbm>> -> memref<32x1024xf32, #tpu.memory_space<hbm>>
      %dma_start3A_131 = arith.constant 0 : i32
      %dma_start3A_132 = tpu.memref_slice %arg4[%add3A_23, %dma_start3A_131] : memref<8192x1024xf32, #tpu.memory_space<hbm>> -> memref<32x1024xf32, #tpu.memory_space<hbm>>
      tpu.enqueue_dma source(%arg6 : memref<32x1024xf32, #tpu.memory_space<vmem>>) target(%dma_start3A_132 : memref<32x1024xf32, #tpu.memory_space<hbm>>) target_semaphore(%run_scoped3A : memref<!tpu.dma_semaphore, #tpu.memory_space<semaphore_mem>>)
      %dma_wait3A_133 = arith.constant 0 : i32
      %dma_wait3A_134 = tpu.memref_slice %arg4[%add3A_23, %dma_wait3A_133] : memref<8192x1024xf32, #tpu.memory_space<hbm>> -> memref<32x1024xf32, #tpu.memory_space<hbm>>
      %dma_wait3A_135 = arith.constant 0 : i32
      %dma_wait3A_136 = tpu.memref_slice %arg4[%add3A_23, %dma_wait3A_135] : memref<8192x1024xf32, #tpu.memory_space<hbm>> -> memref<32x1024xf32, #tpu.memory_space<hbm>>
      tpu.wait_dma2 semaphore(%run_scoped3A : memref<!tpu.dma_semaphore, #tpu.memory_space<semaphore_mem>>) src(%arg6 : memref<32x1024xf32, #tpu.memory_space<vmem>>) dst(%dma_wait3A_136 : memref<32x1024xf32, #tpu.memory_space<hbm>>)
      tpu.yield
    }) : () -> ()
    %dma_wait3A_24 = arith.constant 1 : i32
    %dma_wait3A_25 = arith.constant 0 : i32
    %dma_wait3A_26 = tpu.memref_slice %arg5[%dma_wait3A_24, %dma_wait3A_25] : memref<8x32xi32, #tpu.memory_space<vmem>> -> memref<1x32xi32, #tpu.memory_space<vmem>>
    %dma_wait3A_27 = tpu.memref_squeeze %dma_wait3A_26 : memref<1x32xi32, #tpu.memory_space<vmem>> -> memref<32xi32, #tpu.memory_space<vmem>>
    %dma_wait3A_28 = arith.constant 0 : i32
    %dma_wait3A_29 = arith.constant 0 : i32
    %dma_wait3A_30 = tpu.memref_slice %arg2[%dma_wait3A_28, %dma_wait3A_29] : memref<100000x1024xf32, #tpu.memory_space<hbm>> -> memref<100000x1024xf32, #tpu.memory_space<hbm>>
    tpu.wait_indirect_dma semaphore(%arg9 : memref<!tpu.dma_semaphore, #tpu.memory_space<semaphore_mem>>) src(%dma_wait3A_30 : memref<100000x1024xf32, #tpu.memory_space<hbm>>) dst(%arg7 : memref<32x1024xf32, #tpu.memory_space<vmem>>)
    %dma_start3A_31 = arith.constant 2 : i32
    %dma_start3A_32 = arith.constant 0 : i32
    %dma_start3A_33 = tpu.memref_slice %arg5[%dma_start3A_31, %dma_start3A_32] : memref<8x32xi32, #tpu.memory_space<vmem>> -> memref<1x32xi32, #tpu.memory_space<vmem>>
    %dma_start3A_34 = tpu.memref_squeeze %dma_start3A_33 : memref<1x32xi32, #tpu.memory_space<vmem>> -> memref<32xi32, #tpu.memory_space<vmem>>
    %dma_start3A_35 = arith.constant 0 : i32
    %dma_start3A_36 = arith.constant 0 : i32
    %dma_start3A_37 = tpu.memref_slice %arg2[%dma_start3A_35, %dma_start3A_36] : memref<100000x1024xf32, #tpu.memory_space<hbm>> -> memref<100000x1024xf32, #tpu.memory_space<hbm>>
    tpu.enqueue_indirect_dma source(%dma_start3A_37 : memref<100000x1024xf32, #tpu.memory_space<hbm>>) target(%arg6 : memref<32x1024xf32, #tpu.memory_space<vmem>>) offsets(%dma_start3A_34 : memref<32xi32, #tpu.memory_space<vmem>>) semaphore(%arg8 : memref<!tpu.dma_semaphore, #tpu.memory_space<semaphore_mem>>)
    %add3A_38 = arith.constant 32 : i32
    %add3A_39 = arith.addi %mul3A_2, %add3A_38 : i32
    "tpu.region"() ({
      %run_scoped3A = tpu.sem_alloc : memref<!tpu.dma_semaphore, #tpu.memory_space<semaphore_mem>>
      %dma_start3A_129 = arith.constant 0 : i32
      %dma_start3A_130 = tpu.memref_slice %arg4[%add3A_39, %dma_start3A_129] : memref<8192x1024xf32, #tpu.memory_space<hbm>> -> memref<32x1024xf32, #tpu.memory_space<hbm>>
      %dma_start3A_131 = arith.constant 0 : i32
      %dma_start3A_132 = tpu.memref_slice %arg4[%add3A_39, %dma_start3A_131] : memref<8192x1024xf32, #tpu.memory_space<hbm>> -> memref<32x1024xf32, #tpu.memory_space<hbm>>
      tpu.enqueue_dma source(%arg7 : memref<32x1024xf32, #tpu.memory_space<vmem>>) target(%dma_start3A_132 : memref<32x1024xf32, #tpu.memory_space<hbm>>) target_semaphore(%run_scoped3A : memref<!tpu.dma_semaphore, #tpu.memory_space<semaphore_mem>>)
      %dma_wait3A_133 = arith.constant 0 : i32
      %dma_wait3A_134 = tpu.memref_slice %arg4[%add3A_39, %dma_wait3A_133] : memref<8192x1024xf32, #tpu.memory_space<hbm>> -> memref<32x1024xf32, #tpu.memory_space<hbm>>
      %dma_wait3A_135 = arith.constant 0 : i32
      %dma_wait3A_136 = tpu.memref_slice %arg4[%add3A_39, %dma_wait3A_135] : memref<8192x1024xf32, #tpu.memory_space<hbm>> -> memref<32x1024xf32, #tpu.memory_space<hbm>>
      tpu.wait_dma2 semaphore(%run_scoped3A : memref<!tpu.dma_semaphore, #tpu.memory_space<semaphore_mem>>) src(%arg7 : memref<32x1024xf32, #tpu.memory_space<vmem>>) dst(%dma_wait3A_136 : memref<32x1024xf32, #tpu.memory_space<hbm>>)
      tpu.yield
    }) : () -> ()
    %dma_wait3A_40 = arith.constant 2 : i32
    %dma_wait3A_41 = arith.constant 0 : i32
    %dma_wait3A_42 = tpu.memref_slice %arg5[%dma_wait3A_40, %dma_wait3A_41] : memref<8x32xi32, #tpu.memory_space<vmem>> -> memref<1x32xi32, #tpu.memory_space<vmem>>
    %dma_wait3A_43 = tpu.memref_squeeze %dma_wait3A_42 : memref<1x32xi32, #tpu.memory_space<vmem>> -> memref<32xi32, #tpu.memory_space<vmem>>
    %dma_wait3A_44 = arith.constant 0 : i32
    %dma_wait3A_45 = arith.constant 0 : i32
    %dma_wait3A_46 = tpu.memref_slice %arg2[%dma_wait3A_44, %dma_wait3A_45] : memref<100000x1024xf32, #tpu.memory_space<hbm>> -> memref<100000x1024xf32, #tpu.memory_space<hbm>>
    tpu.wait_indirect_dma semaphore(%arg8 : memref<!tpu.dma_semaphore, #tpu.memory_space<semaphore_mem>>) src(%dma_wait3A_46 : memref<100000x1024xf32, #tpu.memory_space<hbm>>) dst(%arg6 : memref<32x1024xf32, #tpu.memory_space<vmem>>)
    %dma_start3A_47 = arith.constant 3 : i32
    %dma_start3A_48 = arith.constant 0 : i32
    %dma_start3A_49 = tpu.memref_slice %arg5[%dma_start3A_47, %dma_start3A_48] : memref<8x32xi32, #tpu.memory_space<vmem>> -> memref<1x32xi32, #tpu.memory_space<vmem>>
    %dma_start3A_50 = tpu.memref_squeeze %dma_start3A_49 : memref<1x32xi32, #tpu.memory_space<vmem>> -> memref<32xi32, #tpu.memory_space<vmem>>
    %dma_start3A_51 = arith.constant 0 : i32
    %dma_start3A_52 = arith.constant 0 : i32
    %dma_start3A_53 = tpu.memref_slice %arg2[%dma_start3A_51, %dma_start3A_52] : memref<100000x1024xf32, #tpu.memory_space<hbm>> -> memref<100000x1024xf32, #tpu.memory_space<hbm>>
    tpu.enqueue_indirect_dma source(%dma_start3A_53 : memref<100000x1024xf32, #tpu.memory_space<hbm>>) target(%arg7 : memref<32x1024xf32, #tpu.memory_space<vmem>>) offsets(%dma_start3A_50 : memref<32xi32, #tpu.memory_space<vmem>>) semaphore(%arg9 : memref<!tpu.dma_semaphore, #tpu.memory_space<semaphore_mem>>)
    %add3A_54 = arith.constant 64 : i32
    %add3A_55 = arith.addi %mul3A_2, %add3A_54 : i32
    "tpu.region"() ({
      %run_scoped3A = tpu.sem_alloc : memref<!tpu.dma_semaphore, #tpu.memory_space<semaphore_mem>>
      %dma_start3A_129 = arith.constant 0 : i32
      %dma_start3A_130 = tpu.memref_slice %arg4[%add3A_55, %dma_start3A_129] : memref<8192x1024xf32, #tpu.memory_space<hbm>> -> memref<32x1024xf32, #tpu.memory_space<hbm>>
      %dma_start3A_131 = arith.constant 0 : i32
      %dma_start3A_132 = tpu.memref_slice %arg4[%add3A_55, %dma_start3A_131] : memref<8192x1024xf32, #tpu.memory_space<hbm>> -> memref<32x1024xf32, #tpu.memory_space<hbm>>
      tpu.enqueue_dma source(%arg6 : memref<32x1024xf32, #tpu.memory_space<vmem>>) target(%dma_start3A_132 : memref<32x1024xf32, #tpu.memory_space<hbm>>) target_semaphore(%run_scoped3A : memref<!tpu.dma_semaphore, #tpu.memory_space<semaphore_mem>>)
      %dma_wait3A_133 = arith.constant 0 : i32
      %dma_wait3A_134 = tpu.memref_slice %arg4[%add3A_55, %dma_wait3A_133] : memref<8192x1024xf32, #tpu.memory_space<hbm>> -> memref<32x1024xf32, #tpu.memory_space<hbm>>
      %dma_wait3A_135 = arith.constant 0 : i32
      %dma_wait3A_136 = tpu.memref_slice %arg4[%add3A_55, %dma_wait3A_135] : memref<8192x1024xf32, #tpu.memory_space<hbm>> -> memref<32x1024xf32, #tpu.memory_space<hbm>>
      tpu.wait_dma2 semaphore(%run_scoped3A : memref<!tpu.dma_semaphore, #tpu.memory_space<semaphore_mem>>) src(%arg6 : memref<32x1024xf32, #tpu.memory_space<vmem>>) dst(%dma_wait3A_136 : memref<32x1024xf32, #tpu.memory_space<hbm>>)
      tpu.yield
    }) : () -> ()
    %dma_wait3A_56 = arith.constant 3 : i32
    %dma_wait3A_57 = arith.constant 0 : i32
    %dma_wait3A_58 = tpu.memref_slice %arg5[%dma_wait3A_56, %dma_wait3A_57] : memref<8x32xi32, #tpu.memory_space<vmem>> -> memref<1x32xi32, #tpu.memory_space<vmem>>
    %dma_wait3A_59 = tpu.memref_squeeze %dma_wait3A_58 : memref<1x32xi32, #tpu.memory_space<vmem>> -> memref<32xi32, #tpu.memory_space<vmem>>
    %dma_wait3A_60 = arith.constant 0 : i32
    %dma_wait3A_61 = arith.constant 0 : i32
    %dma_wait3A_62 = tpu.memref_slice %arg2[%dma_wait3A_60, %dma_wait3A_61] : memref<100000x1024xf32, #tpu.memory_space<hbm>> -> memref<100000x1024xf32, #tpu.memory_space<hbm>>
    tpu.wait_indirect_dma semaphore(%arg9 : memref<!tpu.dma_semaphore, #tpu.memory_space<semaphore_mem>>) src(%dma_wait3A_62 : memref<100000x1024xf32, #tpu.memory_space<hbm>>) dst(%arg7 : memref<32x1024xf32, #tpu.memory_space<vmem>>)
    %dma_start3A_63 = arith.constant 4 : i32
    %dma_start3A_64 = arith.constant 0 : i32
    %dma_start3A_65 = tpu.memref_slice %arg5[%dma_start3A_63, %dma_start3A_64] : memref<8x32xi32, #tpu.memory_space<vmem>> -> memref<1x32xi32, #tpu.memory_space<vmem>>
    %dma_start3A_66 = tpu.memref_squeeze %dma_start3A_65 : memref<1x32xi32, #tpu.memory_space<vmem>> -> memref<32xi32, #tpu.memory_space<vmem>>
    %dma_start3A_67 = arith.constant 0 : i32
    %dma_start3A_68 = arith.constant 0 : i32
    %dma_start3A_69 = tpu.memref_slice %arg2[%dma_start3A_67, %dma_start3A_68] : memref<100000x1024xf32, #tpu.memory_space<hbm>> -> memref<100000x1024xf32, #tpu.memory_space<hbm>>
    tpu.enqueue_indirect_dma source(%dma_start3A_69 : memref<100000x1024xf32, #tpu.memory_space<hbm>>) target(%arg6 : memref<32x1024xf32, #tpu.memory_space<vmem>>) offsets(%dma_start3A_66 : memref<32xi32, #tpu.memory_space<vmem>>) semaphore(%arg8 : memref<!tpu.dma_semaphore, #tpu.memory_space<semaphore_mem>>)
    %add3A_70 = arith.constant 96 : i32
    %add3A_71 = arith.addi %mul3A_2, %add3A_70 : i32
    "tpu.region"() ({
      %run_scoped3A = tpu.sem_alloc : memref<!tpu.dma_semaphore, #tpu.memory_space<semaphore_mem>>
      %dma_start3A_129 = arith.constant 0 : i32
      %dma_start3A_130 = tpu.memref_slice %arg4[%add3A_71, %dma_start3A_129] : memref<8192x1024xf32, #tpu.memory_space<hbm>> -> memref<32x1024xf32, #tpu.memory_space<hbm>>
      %dma_start3A_131 = arith.constant 0 : i32
      %dma_start3A_132 = tpu.memref_slice %arg4[%add3A_71, %dma_start3A_131] : memref<8192x1024xf32, #tpu.memory_space<hbm>> -> memref<32x1024xf32, #tpu.memory_space<hbm>>
      tpu.enqueue_dma source(%arg7 : memref<32x1024xf32, #tpu.memory_space<vmem>>) target(%dma_start3A_132 : memref<32x1024xf32, #tpu.memory_space<hbm>>) target_semaphore(%run_scoped3A : memref<!tpu.dma_semaphore, #tpu.memory_space<semaphore_mem>>)
      %dma_wait3A_133 = arith.constant 0 : i32
      %dma_wait3A_134 = tpu.memref_slice %arg4[%add3A_71, %dma_wait3A_133] : memref<8192x1024xf32, #tpu.memory_space<hbm>> -> memref<32x1024xf32, #tpu.memory_space<hbm>>
      %dma_wait3A_135 = arith.constant 0 : i32
      %dma_wait3A_136 = tpu.memref_slice %arg4[%add3A_71, %dma_wait3A_135] : memref<8192x1024xf32, #tpu.memory_space<hbm>> -> memref<32x1024xf32, #tpu.memory_space<hbm>>
      tpu.wait_dma2 semaphore(%run_scoped3A : memref<!tpu.dma_semaphore, #tpu.memory_space<semaphore_mem>>) src(%arg7 : memref<32x1024xf32, #tpu.memory_space<vmem>>) dst(%dma_wait3A_136 : memref<32x1024xf32, #tpu.memory_space<hbm>>)
      tpu.yield
    }) : () -> ()
    %dma_wait3A_72 = arith.constant 4 : i32
    %dma_wait3A_73 = arith.constant 0 : i32
    %dma_wait3A_74 = tpu.memref_slice %arg5[%dma_wait3A_72, %dma_wait3A_73] : memref<8x32xi32, #tpu.memory_space<vmem>> -> memref<1x32xi32, #tpu.memory_space<vmem>>
    %dma_wait3A_75 = tpu.memref_squeeze %dma_wait3A_74 : memref<1x32xi32, #tpu.memory_space<vmem>> -> memref<32xi32, #tpu.memory_space<vmem>>
    %dma_wait3A_76 = arith.constant 0 : i32
    %dma_wait3A_77 = arith.constant 0 : i32
    %dma_wait3A_78 = tpu.memref_slice %arg2[%dma_wait3A_76, %dma_wait3A_77] : memref<100000x1024xf32, #tpu.memory_space<hbm>> -> memref<100000x1024xf32, #tpu.memory_space<hbm>>
    tpu.wait_indirect_dma semaphore(%arg8 : memref<!tpu.dma_semaphore, #tpu.memory_space<semaphore_mem>>) src(%dma_wait3A_78 : memref<100000x1024xf32, #tpu.memory_space<hbm>>) dst(%arg6 : memref<32x1024xf32, #tpu.memory_space<vmem>>)
    %dma_start3A_79 = arith.constant 5 : i32
    %dma_start3A_80 = arith.constant 0 : i32
    %dma_start3A_81 = tpu.memref_slice %arg5[%dma_start3A_79, %dma_start3A_80] : memref<8x32xi32, #tpu.memory_space<vmem>> -> memref<1x32xi32, #tpu.memory_space<vmem>>
    %dma_start3A_82 = tpu.memref_squeeze %dma_start3A_81 : memref<1x32xi32, #tpu.memory_space<vmem>> -> memref<32xi32, #tpu.memory_space<vmem>>
    %dma_start3A_83 = arith.constant 0 : i32
    %dma_start3A_84 = arith.constant 0 : i32
    %dma_start3A_85 = tpu.memref_slice %arg2[%dma_start3A_83, %dma_start3A_84] : memref<100000x1024xf32, #tpu.memory_space<hbm>> -> memref<100000x1024xf32, #tpu.memory_space<hbm>>
    tpu.enqueue_indirect_dma source(%dma_start3A_85 : memref<100000x1024xf32, #tpu.memory_space<hbm>>) target(%arg7 : memref<32x1024xf32, #tpu.memory_space<vmem>>) offsets(%dma_start3A_82 : memref<32xi32, #tpu.memory_space<vmem>>) semaphore(%arg9 : memref<!tpu.dma_semaphore, #tpu.memory_space<semaphore_mem>>)
    %add3A_86 = arith.constant 128 : i32
    %add3A_87 = arith.addi %mul3A_2, %add3A_86 : i32
    "tpu.region"() ({
      %run_scoped3A = tpu.sem_alloc : memref<!tpu.dma_semaphore, #tpu.memory_space<semaphore_mem>>
      %dma_start3A_129 = arith.constant 0 : i32
      %dma_start3A_130 = tpu.memref_slice %arg4[%add3A_87, %dma_start3A_129] : memref<8192x1024xf32, #tpu.memory_space<hbm>> -> memref<32x1024xf32, #tpu.memory_space<hbm>>
      %dma_start3A_131 = arith.constant 0 : i32
      %dma_start3A_132 = tpu.memref_slice %arg4[%add3A_87, %dma_start3A_131] : memref<8192x1024xf32, #tpu.memory_space<hbm>> -> memref<32x1024xf32, #tpu.memory_space<hbm>>
      tpu.enqueue_dma source(%arg6 : memref<32x1024xf32, #tpu.memory_space<vmem>>) target(%dma_start3A_132 : memref<32x1024xf32, #tpu.memory_space<hbm>>) target_semaphore(%run_scoped3A : memref<!tpu.dma_semaphore, #tpu.memory_space<semaphore_mem>>)
      %dma_wait3A_133 = arith.constant 0 : i32
      %dma_wait3A_134 = tpu.memref_slice %arg4[%add3A_87, %dma_wait3A_133] : memref<8192x1024xf32, #tpu.memory_space<hbm>> -> memref<32x1024xf32, #tpu.memory_space<hbm>>
      %dma_wait3A_135 = arith.constant 0 : i32
      %dma_wait3A_136 = tpu.memref_slice %arg4[%add3A_87, %dma_wait3A_135] : memref<8192x1024xf32, #tpu.memory_space<hbm>> -> memref<32x1024xf32, #tpu.memory_space<hbm>>
      tpu.wait_dma2 semaphore(%run_scoped3A : memref<!tpu.dma_semaphore, #tpu.memory_space<semaphore_mem>>) src(%arg6 : memref<32x1024xf32, #tpu.memory_space<vmem>>) dst(%dma_wait3A_136 : memref<32x1024xf32, #tpu.memory_space<hbm>>)
      tpu.yield
    }) : () -> ()
    %dma_wait3A_88 = arith.constant 5 : i32
    %dma_wait3A_89 = arith.constant 0 : i32
    %dma_wait3A_90 = tpu.memref_slice %arg5[%dma_wait3A_88, %dma_wait3A_89] : memref<8x32xi32, #tpu.memory_space<vmem>> -> memref<1x32xi32, #tpu.memory_space<vmem>>
    %dma_wait3A_91 = tpu.memref_squeeze %dma_wait3A_90 : memref<1x32xi32, #tpu.memory_space<vmem>> -> memref<32xi32, #tpu.memory_space<vmem>>
    %dma_wait3A_92 = arith.constant 0 : i32
    %dma_wait3A_93 = arith.constant 0 : i32
    %dma_wait3A_94 = tpu.memref_slice %arg2[%dma_wait3A_92, %dma_wait3A_93] : memref<100000x1024xf32, #tpu.memory_space<hbm>> -> memref<100000x1024xf32, #tpu.memory_space<hbm>>
    tpu.wait_indirect_dma semaphore(%arg9 : memref<!tpu.dma_semaphore, #tpu.memory_space<semaphore_mem>>) src(%dma_wait3A_94 : memref<100000x1024xf32, #tpu.memory_space<hbm>>) dst(%arg7 : memref<32x1024xf32, #tpu.memory_space<vmem>>)
    %dma_start3A_95 = arith.constant 6 : i32
    %dma_start3A_96 = arith.constant 0 : i32
    %dma_start3A_97 = tpu.memref_slice %arg5[%dma_start3A_95, %dma_start3A_96] : memref<8x32xi32, #tpu.memory_space<vmem>> -> memref<1x32xi32, #tpu.memory_space<vmem>>
    %dma_start3A_98 = tpu.memref_squeeze %dma_start3A_97 : memref<1x32xi32, #tpu.memory_space<vmem>> -> memref<32xi32, #tpu.memory_space<vmem>>
    %dma_start3A_99 = arith.constant 0 : i32
    %dma_start3A_100 = arith.constant 0 : i32
    %dma_start3A_101 = tpu.memref_slice %arg2[%dma_start3A_99, %dma_start3A_100] : memref<100000x1024xf32, #tpu.memory_space<hbm>> -> memref<100000x1024xf32, #tpu.memory_space<hbm>>
    tpu.enqueue_indirect_dma source(%dma_start3A_101 : memref<100000x1024xf32, #tpu.memory_space<hbm>>) target(%arg6 : memref<32x1024xf32, #tpu.memory_space<vmem>>) offsets(%dma_start3A_98 : memref<32xi32, #tpu.memory_space<vmem>>) semaphore(%arg8 : memref<!tpu.dma_semaphore, #tpu.memory_space<semaphore_mem>>)
    %add3A_102 = arith.constant 160 : i32
    %add3A_103 = arith.addi %mul3A_2, %add3A_102 : i32
    "tpu.region"() ({
      %run_scoped3A = tpu.sem_alloc : memref<!tpu.dma_semaphore, #tpu.memory_space<semaphore_mem>>
      %dma_start3A_129 = arith.constant 0 : i32
      %dma_start3A_130 = tpu.memref_slice %arg4[%add3A_103, %dma_start3A_129] : memref<8192x1024xf32, #tpu.memory_space<hbm>> -> memref<32x1024xf32, #tpu.memory_space<hbm>>
      %dma_start3A_131 = arith.constant 0 : i32
      %dma_start3A_132 = tpu.memref_slice %arg4[%add3A_103, %dma_start3A_131] : memref<8192x1024xf32, #tpu.memory_space<hbm>> -> memref<32x1024xf32, #tpu.memory_space<hbm>>
      tpu.enqueue_dma source(%arg7 : memref<32x1024xf32, #tpu.memory_space<vmem>>) target(%dma_start3A_132 : memref<32x1024xf32, #tpu.memory_space<hbm>>) target_semaphore(%run_scoped3A : memref<!tpu.dma_semaphore, #tpu.memory_space<semaphore_mem>>)
      %dma_wait3A_133 = arith.constant 0 : i32
      %dma_wait3A_134 = tpu.memref_slice %arg4[%add3A_103, %dma_wait3A_133] : memref<8192x1024xf32, #tpu.memory_space<hbm>> -> memref<32x1024xf32, #tpu.memory_space<hbm>>
      %dma_wait3A_135 = arith.constant 0 : i32
      %dma_wait3A_136 = tpu.memref_slice %arg4[%add3A_103, %dma_wait3A_135] : memref<8192x1024xf32, #tpu.memory_space<hbm>> -> memref<32x1024xf32, #tpu.memory_space<hbm>>
      tpu.wait_dma2 semaphore(%run_scoped3A : memref<!tpu.dma_semaphore, #tpu.memory_space<semaphore_mem>>) src(%arg7 : memref<32x1024xf32, #tpu.memory_space<vmem>>) dst(%dma_wait3A_136 : memref<32x1024xf32, #tpu.memory_space<hbm>>)
      tpu.yield
    }) : () -> ()
    %dma_wait3A_104 = arith.constant 6 : i32
    %dma_wait3A_105 = arith.constant 0 : i32
    %dma_wait3A_106 = tpu.memref_slice %arg5[%dma_wait3A_104, %dma_wait3A_105] : memref<8x32xi32, #tpu.memory_space<vmem>> -> memref<1x32xi32, #tpu.memory_space<vmem>>
    %dma_wait3A_107 = tpu.memref_squeeze %dma_wait3A_106 : memref<1x32xi32, #tpu.memory_space<vmem>> -> memref<32xi32, #tpu.memory_space<vmem>>
    %dma_wait3A_108 = arith.constant 0 : i32
    %dma_wait3A_109 = arith.constant 0 : i32
    %dma_wait3A_110 = tpu.memref_slice %arg2[%dma_wait3A_108, %dma_wait3A_109] : memref<100000x1024xf32, #tpu.memory_space<hbm>> -> memref<100000x1024xf32, #tpu.memory_space<hbm>>
    tpu.wait_indirect_dma semaphore(%arg8 : memref<!tpu.dma_semaphore, #tpu.memory_space<semaphore_mem>>) src(%dma_wait3A_110 : memref<100000x1024xf32, #tpu.memory_space<hbm>>) dst(%arg6 : memref<32x1024xf32, #tpu.memory_space<vmem>>)
    %dma_start3A_111 = arith.constant 7 : i32
    %dma_start3A_112 = arith.constant 0 : i32
    %dma_start3A_113 = tpu.memref_slice %arg5[%dma_start3A_111, %dma_start3A_112] : memref<8x32xi32, #tpu.memory_space<vmem>> -> memref<1x32xi32, #tpu.memory_space<vmem>>
    %dma_start3A_114 = tpu.memref_squeeze %dma_start3A_113 : memref<1x32xi32, #tpu.memory_space<vmem>> -> memref<32xi32, #tpu.memory_space<vmem>>
    %dma_start3A_115 = arith.constant 0 : i32
    %dma_start3A_116 = arith.constant 0 : i32
    %dma_start3A_117 = tpu.memref_slice %arg2[%dma_start3A_115, %dma_start3A_116] : memref<100000x1024xf32, #tpu.memory_space<hbm>> -> memref<100000x1024xf32, #tpu.memory_space<hbm>>
    tpu.enqueue_indirect_dma source(%dma_start3A_117 : memref<100000x1024xf32, #tpu.memory_space<hbm>>) target(%arg7 : memref<32x1024xf32, #tpu.memory_space<vmem>>) offsets(%dma_start3A_114 : memref<32xi32, #tpu.memory_space<vmem>>) semaphore(%arg9 : memref<!tpu.dma_semaphore, #tpu.memory_space<semaphore_mem>>)
    %add3A_118 = arith.constant 192 : i32
    %add3A_119 = arith.addi %mul3A_2, %add3A_118 : i32
    "tpu.region"() ({
      %run_scoped3A = tpu.sem_alloc : memref<!tpu.dma_semaphore, #tpu.memory_space<semaphore_mem>>
      %dma_start3A_129 = arith.constant 0 : i32
      %dma_start3A_130 = tpu.memref_slice %arg4[%add3A_119, %dma_start3A_129] : memref<8192x1024xf32, #tpu.memory_space<hbm>> -> memref<32x1024xf32, #tpu.memory_space<hbm>>
      %dma_start3A_131 = arith.constant 0 : i32
      %dma_start3A_132 = tpu.memref_slice %arg4[%add3A_119, %dma_start3A_131] : memref<8192x1024xf32, #tpu.memory_space<hbm>> -> memref<32x1024xf32, #tpu.memory_space<hbm>>
      tpu.enqueue_dma source(%arg6 : memref<32x1024xf32, #tpu.memory_space<vmem>>) target(%dma_start3A_132 : memref<32x1024xf32, #tpu.memory_space<hbm>>) target_semaphore(%run_scoped3A : memref<!tpu.dma_semaphore, #tpu.memory_space<semaphore_mem>>)
      %dma_wait3A_133 = arith.constant 0 : i32
      %dma_wait3A_134 = tpu.memref_slice %arg4[%add3A_119, %dma_wait3A_133] : memref<8192x1024xf32, #tpu.memory_space<hbm>> -> memref<32x1024xf32, #tpu.memory_space<hbm>>
      %dma_wait3A_135 = arith.constant 0 : i32
      %dma_wait3A_136 = tpu.memref_slice %arg4[%add3A_119, %dma_wait3A_135] : memref<8192x1024xf32, #tpu.memory_space<hbm>> -> memref<32x1024xf32, #tpu.memory_space<hbm>>
      tpu.wait_dma2 semaphore(%run_scoped3A : memref<!tpu.dma_semaphore, #tpu.memory_space<semaphore_mem>>) src(%arg6 : memref<32x1024xf32, #tpu.memory_space<vmem>>) dst(%dma_wait3A_136 : memref<32x1024xf32, #tpu.memory_space<hbm>>)
      tpu.yield
    }) : () -> ()
    %dma_wait3A_120 = arith.constant 7 : i32
    %dma_wait3A_121 = arith.constant 0 : i32
    %dma_wait3A_122 = tpu.memref_slice %arg5[%dma_wait3A_120, %dma_wait3A_121] : memref<8x32xi32, #tpu.memory_space<vmem>> -> memref<1x32xi32, #tpu.memory_space<vmem>>
    %dma_wait3A_123 = tpu.memref_squeeze %dma_wait3A_122 : memref<1x32xi32, #tpu.memory_space<vmem>> -> memref<32xi32, #tpu.memory_space<vmem>>
    %dma_wait3A_124 = arith.constant 0 : i32
    %dma_wait3A_125 = arith.constant 0 : i32
    %dma_wait3A_126 = tpu.memref_slice %arg2[%dma_wait3A_124, %dma_wait3A_125] : memref<100000x1024xf32, #tpu.memory_space<hbm>> -> memref<100000x1024xf32, #tpu.memory_space<hbm>>
    tpu.wait_indirect_dma semaphore(%arg9 : memref<!tpu.dma_semaphore, #tpu.memory_space<semaphore_mem>>) src(%dma_wait3A_126 : memref<100000x1024xf32, #tpu.memory_space<hbm>>) dst(%arg7 : memref<32x1024xf32, #tpu.memory_space<vmem>>)
    %add3A_127 = arith.constant 224 : i32
    %add3A_128 = arith.addi %mul3A_2, %add3A_127 : i32
    "tpu.region"() ({
      %run_scoped3A = tpu.sem_alloc : memref<!tpu.dma_semaphore, #tpu.memory_space<semaphore_mem>>
      %dma_start3A_129 = arith.constant 0 : i32
      %dma_start3A_130 = tpu.memref_slice %arg4[%add3A_128, %dma_start3A_129] : memref<8192x1024xf32, #tpu.memory_space<hbm>> -> memref<32x1024xf32, #tpu.memory_space<hbm>>
      %dma_start3A_131 = arith.constant 0 : i32
      %dma_start3A_132 = tpu.memref_slice %arg4[%add3A_128, %dma_start3A_131] : memref<8192x1024xf32, #tpu.memory_space<hbm>> -> memref<32x1024xf32, #tpu.memory_space<hbm>>
      tpu.enqueue_dma source(%arg7 : memref<32x1024xf32, #tpu.memory_space<vmem>>) target(%dma_start3A_132 : memref<32x1024xf32, #tpu.memory_space<hbm>>) target_semaphore(%run_scoped3A : memref<!tpu.dma_semaphore, #tpu.memory_space<semaphore_mem>>)
      %dma_wait3A_133 = arith.constant 0 : i32
      %dma_wait3A_134 = tpu.memref_slice %arg4[%add3A_128, %dma_wait3A_133] : memref<8192x1024xf32, #tpu.memory_space<hbm>> -> memref<32x1024xf32, #tpu.memory_space<hbm>>
      %dma_wait3A_135 = arith.constant 0 : i32
      %dma_wait3A_136 = tpu.memref_slice %arg4[%add3A_128, %dma_wait3A_135] : memref<8192x1024xf32, #tpu.memory_space<hbm>> -> memref<32x1024xf32, #tpu.memory_space<hbm>>
      tpu.wait_dma2 semaphore(%run_scoped3A : memref<!tpu.dma_semaphore, #tpu.memory_space<semaphore_mem>>) src(%arg7 : memref<32x1024xf32, #tpu.memory_space<vmem>>) dst(%dma_wait3A_136 : memref<32x1024xf32, #tpu.memory_space<hbm>>)
      tpu.yield
    }) : () -> ()
    return
  }
}

module attributes {stable_mosaic.version = 14 : i64} {
  func.func @_mask_body(%arg0: i32, %arg1: i32, %arg2: memref<1x1x2048xi32, #tpu.memory_space<vmem>>, %arg3: memref<1x1x256x2048xi32, #tpu.memory_space<vmem>>) attributes {dimension_semantics = [#tpu.dimension_semantics<arbitrary>, #tpu.dimension_semantics<arbitrary>], iteration_bounds = array<i64: 4, 8>, scalar_prefetch = 0 : i64, scratch_operands = 0 : i64, tpu.core_type = #tpu.core_type<tc>, window_params = [{transform_indices = @transform_0, window_bounds = array<i64: 1, 1, 2048>}, {transform_indices = @transform_1, window_bounds = array<i64: 1, 1, 256, 2048>}]} {
    %mul3A = arith.constant 256 : i32
    %mul3A_0 = arith.muli %arg1, %mul3A : i32
    %iota3A = tpu.iota {dimensions = array<i32: 0>} : vector<256x1xi32>
    %add3A = vector.broadcast %mul3A_0 : i32 to vector<256x1xi32>
    %add3A_1 = arith.addi %add3A, %iota3A : vector<256x1xi32>
    %iota3A_2 = tpu.iota {dimensions = array<i32: 1>} : vector<1x2048xi32>
    %get3A = arith.constant 0 : index
    %get3A_3 = arith.constant 0 : index
    %get3A_4 = arith.constant 0 : index
    %get3A_5 = vector.load %arg2[%get3A, %get3A_3, %get3A_4] : memref<1x1x2048xi32, #tpu.memory_space<vmem>>, vector<1x1x2048xi32>
    %get3A_6 = vector.shape_cast %get3A_5 : vector<1x1x2048xi32> to vector<2048xi32>
    %broadcast_in_dim3A = vector.shape_cast %get3A_6 : vector<2048xi32> to vector<1x2048xi32>
    %eq3A = arith.constant 0 : i32
    %eq3A_7 = vector.broadcast %eq3A : i32 to vector<1x2048xi32>
    %eq3A_8 = arith.cmpi eq, %broadcast_in_dim3A, %eq3A_7 : vector<1x2048xi32>
    %gt3A = vector.broadcast %iota3A_2 : vector<1x2048xi32> to vector<256x2048xi32>
    %gt3A_9 = vector.broadcast %add3A_1 : vector<256x1xi32> to vector<256x2048xi32>
    %gt3A_10 = arith.cmpi sgt, %gt3A, %gt3A_9 : vector<256x2048xi32>
    %or3A = vector.broadcast %eq3A_8 : vector<1x2048xi1> to vector<256x2048xi1>
    %or3A_11 = arith.ori %gt3A_10, %or3A : vector<256x2048xi1>
    %jit3A = arith.constant -2147483648 : i32
    %jit3A_12 = arith.constant 0 : i32
    %broadcast_in_dim3A_13 = vector.broadcast %jit3A : i32 to vector<256x2048xi32>
    %broadcast_in_dim3A_14 = vector.broadcast %jit3A_12 : i32 to vector<256x2048xi32>
    %select_n3A = arith.select %or3A_11, %broadcast_in_dim3A_13, %broadcast_in_dim3A_14 : vector<256x2048xi1>, vector<256x2048xi32>
    %swap3A = arith.constant 0 : index
    %swap3A_15 = arith.constant 0 : index
    %swap3A_16 = arith.constant 0 : index
    %swap3A_17 = arith.constant 0 : index
    %swap3A_18 = vector.load %arg3[%swap3A, %swap3A_15, %swap3A_16, %swap3A_17] : memref<1x1x256x2048xi32, #tpu.memory_space<vmem>>, vector<1x1x256x2048xi32>
    %swap3A_19 = vector.shape_cast %swap3A_18 : vector<1x1x256x2048xi32> to vector<256x2048xi32>
    %swap3A_20 = vector.shape_cast %select_n3A : vector<256x2048xi32> to vector<1x1x256x2048xi32>
    tpu.vector_store %arg3[%swap3A, %swap3A_15, %swap3A_16, %swap3A_17], %swap3A_20 {strides = array<i32>} : memref<1x1x256x2048xi32, #tpu.memory_space<vmem>>, vector<1x1x256x2048xi32>,
    return
  }
  func.func @transform_0(%arg0: i32, %arg1: i32) -> (i32, i32, i32) {
    %c0_i32 = arith.constant 0 : i32
    %c0_i32_0 = arith.constant 0 : i32
    %c0_i32_1 = arith.constant 0 : i32
    return %arg0, %c0_i32, %c0_i32_0 : i32, i32, i32
  }
  func.func @transform_1(%arg0: i32, %arg1: i32) -> (i32, i32, i32, i32) {
    %c0_i32 = arith.constant 0 : i32
    %c0_i32_0 = arith.constant 0 : i32
    %c0_i32_1 = arith.constant 0 : i32
    return %arg0, %c0_i32, %arg1, %c0_i32_0 : i32, i32, i32, i32
  }
}

</mosaic_0001>

<sc_bundles>
// kernel: kernel.4.cloned.1.call-start
scs
__scs_entry_jumppad:
0x0: {  	(pc) =	sbr.rel $0x88, $3  }
0x1: {  	(tag) =	ssettag $0x0;
	lr =	simm.s32 $0x1  }
0x2: {  	[smem:$0x3F9C] =	sst lr;
	_ =	strace $0xD0000000  }
0x3: {  	_ = 	snop  }
0x4: {  	_ = 	snop  }
0x5: {  	_ = 	snop  }
0x6: {  	_ = 	snop  }
0x7: {  	_ = 	snop  }
__scs_overlays_trampoline_lowered:
0x8: {  	[smem:$0x3FAB] =	sst s0  }
0x9: {  	[smem:$0x3FAC] =	sst s1  }
0xa: {  	[smem:$0x3FAD] =	sst s2  }
0xb: {  	[smem:$0x3FAE] =	sst s3  }
0xc: {  	[smem:$0x3FAF] =	sst s4  }
0xd: {  	[smem:$0x3FB0] =	sst s5  }
0xe: {  	[smem:$0x3FB1] =	sst s6  }
0xf: {  	[smem:$0x3FB2] =	sst s7  }
0x10: {  	[smem:$0x3FB3] =	sst s8  }
0x11: {  	[smem:$0x3FB4] =	sst s9;
	s0 =	simm.s32 @!p0 $0x0  }
0x12: {  	s1 =	sld [smem:$0x3F9A];
	s0 =	simm.s32 @p0 $0x1  }
0x13: {  	[smem:$0x3FB5] =	sst s0;
	s0 =	simm.s32 @!p1 $0x0  }
0x14: {  	s2 =	sld [smem:$0x3F99];
	s0 =	simm.s32 @p1 $0x1  }
0x15: {  	[smem:$0x3FB6] =	sst s0;
	s0 =	simm.s32 @!p2 $0x0  }
0x16: {  	s3 =	sld [smem:$0x3FDB];
	s0 =	simm.s32 @p2 $0x1  }
0x17: {  	s4 =	simm.s32 $0x1BF5;
	[smem:$0x3FB8] =	sst s0  }
0x18: {  	s0 =	sld [smem:$0x3F9B];
	_ =	swait.ge [sflag:s4], $0x0  }
0x19: {  	s7 =	sld [smem:$0x3F9C]  }
0x1a: {  	s8 =	sadd.s32 $0xFFFFE003, lr  }
0x1b: {  	s9 =	sadd.s32 $0xFFFFFEF7, lr;
	s5 =	simm.s32 $0xFFFFFFFF;
	p2 =	slt.u32 s8, $0xFFFFF086  }
0x1c: {  	p1 =	slt.u32 s9, $0xF7A;
	s5 =	simm.s32 @!p2 $0x0  }
0x1d: {  	s5 =	simm.s32 @p1 $0x1;
	p0 =	seq.s32 s7, s2  }
0x1e: {  	s7 =	smul.u32 @!p0 $0xF7A, s2;
	p2 =	seq.s32 @!p0 s5, $0x0  }
0x1f: {  	s9 =	smul.u32 $0xF7A, s1;
	s8 =	simm.s32 @!p0 $0x1BF5;
	p2 =	por !p2, p0  }
0x20: {  	[sflag:s8] =	ssyncset.s32 @!p0 $0xFFFFF086;
	s6 =	sadd.s32 @!p0 s3, s7;
	s7 =	simm.s32 @!p0 $0x108  }
0x21: {  	s3 =	sadd.s32 s3, s9;
	s6 =	sadd.s32 @!p0 $0x88, s6;
	s7 =	simm.s32 @p2 $0x1082  }
0x22: {  	[simem:s7], [sflag:s8] =	dma.local @!p0 [hbm:s6], $0xF7A  }
0x23: {  	s9 =	sor.u32 $0xD0000000, s2;
	s6 =	simm.s32 $0x108;
	_ =	swait.ge @!p0 [sflag:s8], $0x0  }
0x24: {  	s3 =	sadd.s32 $0x88, s3;
	s6 =	simm.s32 @!p1 $0x1082;
	[sflag:s4] =	ssyncset.s32 $0xFFFFF086  }
0x25: {  	[simem:s6], [sflag:s4] =	dma.local [hbm:s3], $0xF7A  }
0x26: {  	[smem:$0x3F9C] =	sst s1;
	(tag) =	ssettag s2;
	_ =	strace s9  }
0x27: {  	s1 =	sld [smem:$0x3FAC]  }
0x28: {  	s2 =	sld [smem:$0x3FAD]  }
0x29: {  	s4 =	sld [smem:$0x3FAF]  }
0x2a: {  	p0 =	seq.s32 s5, $0x0;
	s5 =	sld [smem:$0x3FB0]  }
0x2b: {  	s6 =	sld [smem:$0x3FB1]  }
0x2c: {  	s7 =	sld [smem:$0x3FB2]  }
0x2d: {  	s3 =	simm.s32 $0x108;
	s8 =	sld [smem:$0x3FB3]  }
0x2e: {  	s3 =	simm.s32 @!p0 $0x1082;
	s9 =	sld [smem:$0x3FB4]  }
0x2f: {  	lr =	sadd.s32 s0, s3;
	s0 =	sld [smem:$0x3FAB]  }
0x30: {  	s3 =	sld [smem:$0x3FAE]  }
0x31: {  	[smem:$0x3FB7] =	sst s10  }
0x32: {  	s10 =	sld [smem:$0x3FB5];
	_ =	sdelay $0x3  }
0x33: {  	p0 =	seq.s32 s10, $0x1;
	s10 =	sld [smem:$0x3FB7];
	_ =	sdelay $0x3  }
0x34: {  	[smem:$0x3FB7] =	sst s10  }
0x35: {  	s10 =	sld [smem:$0x3FB6];
	_ =	sdelay $0x3  }
0x36: {  	p1 =	seq.s32 s10, $0x1;
	s10 =	sld [smem:$0x3FB7];
	_ =	sdelay $0x3  }
0x37: {  	[smem:$0x3FB7] =	sst s10  }
0x38: {  	s10 =	sld [smem:$0x3FB8]  }
0x39: {  	_ = 	snop;
	(pc) =	sbr.ind lr, $3  }
0x3a: {  	_ = 	snop  }
0x3b: {  	_ = 	snop  }
0x3c: {  	p2 =	seq.s32 s10, $0x1;
	s10 =	sld [smem:$0x3FB7]  }
0x3d: {  	_ =	shalt  }
0x3e: {  	_ =	shalt  }
0x3f: {  	_ =	shalt  }
0x40: {  	_ =	shalt  }
0x41: {  	_ =	shalt  }
0x42: {  	_ =	shalt  }
0x43: {  	_ =	shalt  }
0x44: {  	_ =	shalt  }
0x45: {  	_ =	shalt  }
0x46: {  	_ =	shalt  }
0x47: {  	_ =	shalt  }
0x48: {  	_ =	shalt  }
0x49: {  	_ =	shalt  }
0x4a: {  	_ =	shalt  }
0x4b: {  	_ =	shalt  }
0x4c: {  	_ =	shalt  }
0x4d: {  	_ =	shalt  }
0x4e: {  	_ =	shalt  }
0x4f: {  	_ =	shalt  }
0x50: {  	_ =	shalt  }
0x51: {  	_ =	shalt  }
0x52: {  	_ =	shalt  }
0x53: {  	_ =	shalt  }
0x54: {  	_ =	shalt  }
0x55: {  	_ =	shalt  }
0x56: {  	_ =	shalt  }
0x57: {  	_ =	shalt  }
0x58: {  	_ =	shalt  }
0x59: {  	_ =	shalt  }
0x5a: {  	_ =	shalt  }
0x5b: {  	_ =	shalt  }
0x5c: {  	_ =	shalt  }
0x5d: {  	_ =	shalt  }
0x5e: {  	_ =	shalt  }
0x5f: {  	_ =	shalt  }
0x60: {  	_ =	shalt  }
0x61: {  	_ =	shalt  }
0x62: {  	_ =	shalt  }
0x63: {  	_ =	shalt  }
0x64: {  	_ =	shalt  }
0x65: {  	_ =	shalt  }
0x66: {  	_ =	shalt  }
0x67: {  	_ =	shalt  }
0x68: {  	_ =	shalt  }
0x69: {  	_ =	shalt  }
0x6a: {  	_ =	shalt  }
0x6b: {  	_ =	shalt  }
0x6c: {  	_ =	shalt  }
0x6d: {  	_ =	shalt  }
0x6e: {  	_ =	shalt  }
0x6f: {  	_ =	shalt  }
0x70: {  	_ =	shalt  }
0x71: {  	_ =	shalt  }
0x72: {  	_ =	shalt  }
0x73: {  	_ =	shalt  }
0x74: {  	_ =	shalt  }
0x75: {  	_ =	shalt  }
0x76: {  	_ =	shalt  }
0x77: {  	_ =	shalt  }
0x78: {  	_ =	shalt  }
0x79: {  	_ =	shalt  }
0x7a: {  	_ =	shalt  }
0x7b: {  	_ =	shalt  }
0x7c: {  	_ =	shalt  }
0x7d: {  	_ =	shalt  }
0x7e: {  	_ =	shalt  }
0x7f: {  	_ =	shalt  }
0x80: {  	_ =	shalt  }
0x81: {  	_ =	shalt  }
0x82: {  	_ =	shalt  }
0x83: {  	_ =	shalt  }
0x84: {  	_ =	shalt  }
0x85: {  	_ =	shalt  }
0x86: {  	_ =	shalt  }
0x87: {  	_ =	shalt  }
.Lfunc_end0:
.L_simem_size_0:
called_computation_lowered:
.L_overlay_start_0:
0x88: {  	s2 =	sld [smem:$0x3FD9]  }
0x89: {  	s3 =	sld [smem:$0x3FFE];
	_ =	sdelay $0x1  }
0x8a: {  	s1 =	srdreg.scid  }
0x8b: {  	s0 =	sand.u32 $0x1, s1  }
0x8c: {  	s14 =	sshll.u32 s0, $0xA;
	s2 =	sadd.s32 s3, s2  }
0x8d: {  	s2 =	sadd.s32 s2, s14  }
0x8e: {  	[smem:$0x3FC3] =	sst s2  }
0x8f: {  	_ = 	snop  }
0x90: {  	s2 =	sld [smem:$0x3FD0];
	_ =	sdelay $0x2  }
0x91: {  	s4 =	simm.s32 $0xA;
	s5 =	simm.s32 $0x10;
	s15 =	sld [smem:$0x3FC5]  }
0x92: {  	[smem:s5], [sflag:s4] =	dma.local [hbm:s2], $0x1  }
0x93: {  	_ =	swait.eq [sflag:s4], $0x1  }
0x94: {  	[sflag:s4] =	ssyncset.done $0x0  }
0x95: {  	[sflag:s4] =	ssyncadd.s32 $0xFFFFFFFF  }
0x96: {  	s16 =	sld [smem:$0x10];
	(tm) =	ssettm $0x1  }
0x97: {  	s17 =	sld [smem:$0x3FFB];
	_ =	sdelay $0x3  }
0x98: {  	_ =	strace s17  }
0x99: {  	s4 =	sld [smem:$0x3FFC];
	_ =	sdelay $0x3  }
0x9a: {  	_ =	strace s4  }
0x9b: {  	s4 =	sld [smem:$0x3FFD];
	_ =	sdelay $0x3  }
0x9c: {  	_ =	strace s4  }
0x9d: {  	_ =	strace $0x8FFFFFFF  }
0x9e: {  	s18 =	sld [smem:$0x3FDB];
	_ =	sdelay $0x1  }
0x9f: {  	s19 =	simm.s32 $_scs_section_size  }
0xa0: {  	s6 =	simm.s32 $_size__tile_overlayer_lowered;
	s7 =	simm.s32 $_tile_overlayer_lowered  }
0xa1: {  	s22 =	simm.s32 $0x1BFF;
	s21 =	sshll.u32 s7, $0x1;
	s4 =	sadd.s32 s19, s18  }
0xa2: {  	s8 =	simm.s32 $0x0;
	s20 =	sshll.u32 s6, $0x1;
	s6 =	sadd.s32 s21, s4  }
0xa3: {  	[timem:s8], [sflag:s22] =	dma.local [hbm:s6], s20  }
0xa4: {  	_ =	swait.ge [sflag:s22], s20  }
0xa5: {  	s5 =	ssub.s32 $0x0, s20;
	[sflag:s22] =	ssyncset.done $0x0  }
0xa6: {  	[sflag:s22] =	ssyncadd.s32 s5;
	_ =	sdelay $0x1  }
0xa7: {  	s23 =	simm.s32 $0x1B8B  }
0xa8: {  	_ =	swait.ge [sflag:s23], $0x1  }
0xa9: {  	[sflag:s23] =	ssyncset.done $0x0  }
0xaa: {  	s25 =	simm.s32 $0x1B8E;
	s24 =	sld [smem:$0x3FFE];
	[sflag:s23] =	ssyncadd.s32 $0xFFFFFFFF  }
0xab: {  	s26 =	simm.s32 $execute0_lowered;
	[smem:$0x3FD2] =	sst s25  }
0xac: {  	s6 =	sshll.u32 s26, $0x1;
	_ =	strace $0x80000046;
	[dreg:$0x1] =	wrdreg $0xFFFFFFFF  }
0xad: {  	s28 =	simm.s32 $_size_execute0_lowered;
	s4 =	sadd.s32 s4, s6;
	[dreg:$0x0] =	wrdreg $0x0  }
0xae: {  	s6 =	sshll.u32 s28, $0x1;
	[dreg:$0x2] =	wrdreg s4  }
0xaf: {  	[dreg:$0x3] =	wrdreg s6  }
0xb0: {  	[dreg:$0x4] =	wrdreg $0xC0  }
0xb1: {  	_ =	task [dreg:s8], $0x5FFFF  }
0xb2: {  	[dreg:$0x1] =	wrdreg $0xFFFFFFFF  }
0xb3: {  	[dreg:$0x0] =	wrdreg $0x60  }
0xb4: {  	[dreg:$0x2] =	wrdreg s15  }
0xb5: {  	[dreg:$0x3] =	wrdreg s24  }
0xb6: {  	[dreg:$0x4] =	wrdreg s16  }
0xb7: {  	[dreg:$0x5] =	wrdreg $0x9  }
0xb8: {  	_ =	task.clear_ibuf [dreg:s8], $0x6FFFF;
	_ =	strace $0x90000046  }
0xb9: {  	s29 =	simm.s32 $0x9;
	_ =	strace $0x80000048  }
0xba: {  	_ =	swait.ge [sflag:s29], $0x1  }
0xbb: {  	[sflag:s29] =	ssyncadd.s32 $0xFFFFFFFF  }
0xbc: {  	_ =	strace $0x90000048  }
0xbd: {  	_ =	sfence  }
0xbe: {  	s30 =	sld [smem:$0x0];
	_ =	sdelay $0x2  }
0xbf: {  	s31 =	sshll.u32 s1, $0xD;
	s1 =	sshrl.u32 s1, $0x2  }
0xc0: {  	s3 =	sand.u32 $0x4000, s31;
	s1 =	sadd.s32 s1, s30  }
0xc1: {  	s0 =	sor.u32 s3, s0;
	s1 =	sshll.u32 s1, $0x11  }
0xc2: {  	s0 =	sor.u32 s1, s0  }
0xc3: {  	s0 =	sadd.s32 $0x8F2B, s0  }
0xc4: {  	[sflag:s0] =	ssyncadd.remote.s32 $0x1  }
0xc5: {  	_ =	sfence.sel $0xFFFF  }
0xc6: {  	[dreg:$0x0] =	wrdreg $0xFFFFFFFF;
	(pc) =	sbr.abs _section_cstart, $3  }
0xc7: {  	[dreg:$0x1] =	wrdreg $0xFFFFFFFF  }
0xc8: {  	_ =	task.clear_ibuf [dreg:s8], $0x2FFFF;
	_ =	strace $0x9FFFFFFF  }
0xc9: {  	(tm) =	ssettm $0x7FFFFFFF  }
tec
execute0_lowered:
.L_overlay_start_1:
0x0: {  	(tag) =	ssettag $0x1  }
0x1: {  	s1 =	rddreg [dreg:$0x0]  }
0x2: {  	s0 =	srdreg.scid;
	s2 =	rddreg [dreg:$0x1]  }
0x3: {  	s3 =	stileid.u32;
	s4 =	rddreg [dreg:$0x2]  }
0x4: {  	s9 =	simm.s32 $0x3;
	s0 =	sand.u32 $0x1, s0;
	s3 =	sshll.u32 s3, $0x1  }
0x5: {  	s19 =	simm.s32 $0x400;
	s28 =	simm.s32 $0x8400;
	s5 =	sor.u32 s0, s3  }
0x6: {  	s3 =	simm.s32 $0x0;
	s6 =	sshll.u32 s5, $0x7;
	s5 =	sshll.u32 s5, $0xF  }
0x7: {  	[smem:$0x7FF] =	sst s3;
	s2 =	sadd.s32 s6, s2;
	s21 =	sadd.s32 s4, s5  }
0x8: {  	_ =	strace $0x80000047;
	s2 =	sadd.s32 $0xA00, s2;
	[dreg:$0xc] =	wrdreg s21  }
0x9: {  	s20 =	simm.s32 $0x2;
	s22 =	sadd.s32 $0x1000, s21;
	[dreg:$0x4] =	wrdreg s2  }
0xa: {  	s7 =	sadd.s32 $0x300, s1;
	s23 =	sadd.s32 $0x2000, s21;
	[dreg:$0x5] =	wrdreg s22  }
0xb: {  	s0 =	ssub.s32 $0x2, s0;
	s24 =	sadd.s32 $0x3000, s21;
	[dreg:$0x6] =	wrdreg s23  }
0xc: {  	s26 =	sshrl.u32 s0, $0x1;
	s25 =	sadd.s32 $0x4000, s21;
	[dreg:$0x7] =	wrdreg s24  }
0xd: {  	s0 =	ssub.s32 s0, s26;
	s29 =	sadd.s32 $0x5000, s21;
	[dreg:$0x8] =	wrdreg s25  }
0xe: {  	v2 =	vlaneseq.u32;
	s5 =	sadd.s32 $0x100, s1;
	s30 =	sadd.s32 $0x6000, s21;
	[dreg:$0x9] =	wrdreg s29  }
0xf: {  	vm0 =	vmmov $0xffff;
	v1 =	vshrl.u32 v2, $0x3;
	s6 =	sadd.s32 $0x200, s1;
	s31 =	sadd.s32 $0x7000, s21;
	[dreg:$0xa] =	wrdreg s30  }
0x10: {  	v0 =	vand.u32 $0x7, v2;
	v2 =	vor.u32 $0x8, v2;
	v1 =	vmul.u32 $0x8, v1;
	s26 =	simm.s32 $0x1;
	s8 =	smax.u32 s0, $0x1;
	[dreg:$0xb] =	wrdreg s31  }
.LBB2_1:
0x11: {  	s21 =	rddreg [dreg:$0x4]  }
0x12: {  	[tilespmem:s3], [sflag:$0x3] =	stream.linear.gather [hbm4b:s21+s3], $0x400, $0x38;
	[tilespmem:$0x10400] =	vst v63  }
0x13: {  	_ =	swait.ge [sflag:s9], $0x400  }
0x14: {  	[sflag:s9] =	ssyncset.done $0x0  }
0x15: {  	[sflag:s9] =	ssyncadd.s32 $0xFFFFFC00  }
0x16: {  	v3 =	vld [tilespmem:$0x0];
	_ =	sdelay $0x4  }
0x17: {  	v4 =	vshll.u32 v3, $0x3  }
0x18: {  	v3 =	vand.u32 $0x7, v3;
	v4 =	vand.u32 $0xFFFFFFC0, v4  }
0x19: {  	v3 =	vor.u32 v3, v4  }
0x1a: {  	v4 =	vperm.xlane v3, v0;
	_ =	sdelay $0x1  }
0x1b: {  	v4 =	vadd.s32 v1, v4;
	_ =	sdelay $0x4  }
0x1c: {  	[tilespmem:s19], [sflag:$0x1] =	stream.indirect_vreg.gather [hbm4b:s1+s3], $0x80, v4, vm0, $0xb8;
	[tilespmem:$0x10400] =	vst v63  }
0x1d: {  	s0 =	simm.s32 $0xC00;
	v3 =	vperm.xlane v3, v2  }
0x1e: {  	[tilespmem:s0], [sflag:$0x1] =	stream.indirect_vreg.gather [hbm4b:s5+s3], $0x80, v4, vm0, $0xb8;
	[tilespmem:$0x10400] =	vst v63  }
0x1f: {  	s31 =	simm.s32 $0x1400;
	v3 =	vadd.s32 v1, v3  }
0x20: {  	[tilespmem:s31], [sflag:$0x1] =	stream.indirect_vreg.gather [hbm4b:s6+s3], $0x80, v4, vm0, $0xb8;
	[tilespmem:$0x10400] =	vst v63  }
0x21: {  	s2 =	simm.s32 $0x1C00  }
0x22: {  	[tilespmem:s2], [sflag:$0x1] =	stream.indirect_vreg.gather [hbm4b:s7+s3], $0x80, v4, vm0, $0xb8;
	[tilespmem:$0x10400] =	vst v63  }
0x23: {  	s4 =	simm.s32 $0x2400  }
0x24: {  	[tilespmem:s4], [sflag:$0x1] =	stream.indirect_vreg.gather [hbm4b:s1+s3], $0x80, v3, vm0, $0xb8;
	[tilespmem:$0x10400] =	vst v63  }
0x25: {  	s10 =	simm.s32 $0x2C00  }
0x26: {  	[tilespmem:s10], [sflag:$0x1] =	stream.indirect_vreg.gather [hbm4b:s5+s3], $0x80, v3, vm0, $0xb8;
	[tilespmem:$0x10400] =	vst v63  }
0x27: {  	s11 =	simm.s32 $0x3400  }
0x28: {  	[tilespmem:s11], [sflag:$0x1] =	stream.indirect_vreg.gather [hbm4b:s6+s3], $0x80, v3, vm0, $0xb8;
	[tilespmem:$0x10400] =	vst v63  }
0x29: {  	s12 =	simm.s32 $0x3C00  }
0x2a: {  	[tilespmem:s12], [sflag:$0x1] =	stream.indirect_vreg.gather [hbm4b:s7+s3], $0x80, v3, vm0, $0xb8;
	[tilespmem:$0x10400] =	vst v63  }
0x2b: {  	v3 =	vld [tilespmem:$0x10];
	_ =	sdelay $0x4  }
0x2c: {  	v49 =	vshll.u32 v3, $0x3  }
0x2d: {  	v3 =	vand.u32 $0x7, v3;
	v4 =	vand.u32 $0xFFFFFFC0, v49  }
0x2e: {  	v3 =	vor.u32 v3, v4  }
0x2f: {  	v4 =	vperm.xlane v3, v0;
	_ =	sdelay $0x1  }
0x30: {  	v4 =	vadd.s32 v1, v4;
	_ =	sdelay $0x3  }
0x31: {  	s13 =	simm.s32 $0x4400  }
0x32: {  	[tilespmem:s13], [sflag:$0x1] =	stream.indirect_vreg.gather [hbm4b:s1+s3], $0x80, v4, vm0, $0xb8;
	[tilespmem:$0x10400] =	vst v63  }
0x33: {  	s14 =	simm.s32 $0x4C00;
	v3 =	vperm.xlane v3, v2  }
0x34: {  	[tilespmem:s14], [sflag:$0x1] =	stream.indirect_vreg.gather [hbm4b:s5+s3], $0x80, v4, vm0, $0xb8;
	[tilespmem:$0x10400] =	vst v63  }
0x35: {  	s15 =	simm.s32 $0x5400;
	v3 =	vadd.s32 v1, v3  }
0x36: {  	[tilespmem:s15], [sflag:$0x1] =	stream.indirect_vreg.gather [hbm4b:s6+s3], $0x80, v4, vm0, $0xb8;
	[tilespmem:$0x10400] =	vst v63  }
0x37: {  	s18 =	simm.s32 $0x5C00  }
0x38: {  	[tilespmem:s18], [sflag:$0x1] =	stream.indirect_vreg.gather [hbm4b:s7+s3], $0x80, v4, vm0, $0xb8;
	[tilespmem:$0x10400] =	vst v63  }
0x39: {  	s21 =	simm.s32 $0x6400  }
0x3a: {  	[tilespmem:s21], [sflag:$0x1] =	stream.indirect_vreg.gather [hbm4b:s1+s3], $0x80, v3, vm0, $0xb8;
	[tilespmem:$0x10400] =	vst v63  }
0x3b: {  	s2 =	simm.s32 $0x6C00  }
0x3c: {  	[tilespmem:s2], [sflag:$0x1] =	stream.indirect_vreg.gather [hbm4b:s5+s3], $0x80, v3, vm0, $0xb8;
	[tilespmem:$0x10400] =	vst v63  }
0x3d: {  	s4 =	simm.s32 $0x7400  }
0x3e: {  	[tilespmem:s4], [sflag:$0x1] =	stream.indirect_vreg.gather [hbm4b:s6+s3], $0x80, v3, vm0, $0xb8;
	[tilespmem:$0x10400] =	vst v63  }
0x3f: {  	s10 =	simm.s32 $0x7C00  }
0x40: {  	[tilespmem:s10], [sflag:$0x1] =	stream.indirect_vreg.gather [hbm4b:s7+s3], $0x80, v3, vm0, $0xb8;
	[tilespmem:$0x10400] =	vst v63  }
0x41: {  	_ =	swait.ge [sflag:s26], $0x8000  }
0x42: {  	[sflag:s26] =	ssyncset.done $0x0  }
0x43: {  	[sflag:s26] =	ssyncadd.s32 $0xFFFF8000  }
0x44: {  	v3 =	vld [tilespmem:$0x80];
	_ =	sdelay $0x4  }
0x45: {  	v50 =	vshll.u32 v3, $0x3  }
0x46: {  	v3 =	vand.u32 $0x7, v3;
	v4 =	vand.u32 $0xFFFFFFC0, v50  }
0x47: {  	v3 =	vor.u32 v3, v4  }
0x48: {  	v4 =	vperm.xlane v3, v0;
	_ =	sdelay $0x1  }
0x49: {  	v4 =	vadd.s32 v1, v4;
	_ =	sdelay $0x4  }
0x4a: {  	[tilespmem:s28], [sflag:$0x2] =	stream.indirect_vreg.gather [hbm4b:s1+s3], $0x80, v4, vm0, $0xb8;
	[tilespmem:$0x10400] =	vst v63  }
0x4b: {  	s15 =	simm.s32 $0x8C00;
	v3 =	vperm.xlane v3, v2  }
0x4c: {  	[tilespmem:s15], [sflag:$0x2] =	stream.indirect_vreg.gather [hbm4b:s5+s3], $0x80, v4, vm0, $0xb8;
	[tilespmem:$0x10400] =	vst v63  }
0x4d: {  	s11 =	simm.s32 $0x9400;
	v3 =	vadd.s32 v1, v3  }
0x4e: {  	[tilespmem:s11], [sflag:$0x2] =	stream.indirect_vreg.gather [hbm4b:s6+s3], $0x80, v4, vm0, $0xb8;
	[tilespmem:$0x10400] =	vst v63  }
0x4f: {  	s12 =	simm.s32 $0x9C00  }
0x50: {  	[tilespmem:s12], [sflag:$0x2] =	stream.indirect_vreg.gather [hbm4b:s7+s3], $0x80, v4, vm0, $0xb8;
	[tilespmem:$0x10400] =	vst v63  }
0x51: {  	s15 =	simm.s32 $0xA400  }
0x52: {  	[tilespmem:s15], [sflag:$0x2] =	stream.indirect_vreg.gather [hbm4b:s1+s3], $0x80, v3, vm0, $0xb8;
	[tilespmem:$0x10400] =	vst v63  }
0x53: {  	s18 =	simm.s32 $0xAC00  }
0x54: {  	[tilespmem:s18], [sflag:$0x2] =	stream.indirect_vreg.gather [hbm4b:s5+s3], $0x80, v3, vm0, $0xb8;
	[tilespmem:$0x10400] =	vst v63  }
0x55: {  	s21 =	simm.s32 $0xB400  }
0x56: {  	[tilespmem:s21], [sflag:$0x2] =	stream.indirect_vreg.gather [hbm4b:s6+s3], $0x80, v3, vm0, $0xb8;
	[tilespmem:$0x10400] =	vst v63  }
0x57: {  	s11 =	simm.s32 $0xBC00  }
0x58: {  	[tilespmem:s11], [sflag:$0x2] =	stream.indirect_vreg.gather [hbm4b:s7+s3], $0x80, v3, vm0, $0xb8;
	[tilespmem:$0x10400] =	vst v63  }
0x59: {  	v3 =	vld [tilespmem:$0x90];
	_ =	sdelay $0x4  }
0x5a: {  	v51 =	vshll.u32 v3, $0x3  }
0x5b: {  	v3 =	vand.u32 $0x7, v3;
	v4 =	vand.u32 $0xFFFFFFC0, v51  }
0x5c: {  	v3 =	vor.u32 v3, v4  }
0x5d: {  	v4 =	vperm.xlane v3, v0;
	_ =	sdelay $0x1  }
0x5e: {  	v4 =	vadd.s32 v1, v4;
	_ =	sdelay $0x3  }
0x5f: {  	s12 =	simm.s32 $0xC400  }
0x60: {  	[tilespmem:s12], [sflag:$0x2] =	stream.indirect_vreg.gather [hbm4b:s1+s3], $0x80, v4, vm0, $0xb8;
	[tilespmem:$0x10400] =	vst v63  }
0x61: {  	s18 =	simm.s32 $0xCC00;
	v3 =	vperm.xlane v3, v2  }
0x62: {  	[tilespmem:s18], [sflag:$0x2] =	stream.indirect_vreg.gather [hbm4b:s5+s3], $0x80, v4, vm0, $0xb8;
	[tilespmem:$0x10400] =	vst v63  }
0x63: {  	s21 =	simm.s32 $0xD400;
	v3 =	vadd.s32 v1, v3  }
0x64: {  	[tilespmem:s21], [sflag:$0x2] =	stream.indirect_vreg.gather [hbm4b:s6+s3], $0x80, v4, vm0, $0xb8;
	[tilespmem:$0x10400] =	vst v63  }
0x65: {  	s18 =	simm.s32 $0xDC00  }
0x66: {  	[tilespmem:s18], [sflag:$0x2] =	stream.indirect_vreg.gather [hbm4b:s7+s3], $0x80, v4, vm0, $0xb8;
	[tilespmem:$0x10400] =	vst v63  }
0x67: {  	s21 =	simm.s32 $0xE400  }
0x68: {  	[tilespmem:s21], [sflag:$0x2] =	stream.indirect_vreg.gather [hbm4b:s1+s3], $0x80, v3, vm0, $0xb8;
	[tilespmem:$0x10400] =	vst v63  }
0x69: {  	s18 =	simm.s32 $0xEC00  }
0x6a: {  	[tilespmem:s18], [sflag:$0x2] =	stream.indirect_vreg.gather [hbm4b:s5+s3], $0x80, v3, vm0, $0xb8;
	[tilespmem:$0x10400] =	vst v63  }
0x6b: {  	s21 =	simm.s32 $0xF400  }
0x6c: {  	[tilespmem:s21], [sflag:$0x2] =	stream.indirect_vreg.gather [hbm4b:s6+s3], $0x80, v3, vm0, $0xb8;
	[tilespmem:$0x10400] =	vst v63  }
0x6d: {  	s15 =	simm.s32 $0xFC00  }
0x6e: {  	[tilespmem:s15], [sflag:$0x2] =	stream.indirect_vreg.gather [hbm4b:s7+s3], $0x80, v3, vm0, $0xb8;
	[tilespmem:$0x10400] =	vst v63  }
0x6f: {  	s15 =	rddreg [dreg:$0xc]  }
0x70: {  	[hbm4b:s15+s3] =	stream.linear.scatter [tilespmem:s19], [sflag:$0x3], $0x8000, $0x38;
	[tilespmem:$0x10400] =	vst v63  }
0x71: {  	_ =	swait.ge [sflag:s9], $0x8000  }
0x72: {  	[sflag:s9] =	ssyncset.done $0x0  }
0x73: {  	[sflag:s9] =	ssyncadd.s32 $0xFFFF8000  }
0x74: {  	_ =	swait.ge [sflag:s20], $0x8000  }
0x75: {  	[sflag:s20] =	ssyncset.done $0x0  }
0x76: {  	[sflag:s20] =	ssyncadd.s32 $0xFFFF8000  }
0x77: {  	v3 =	vld [tilespmem:$0x100];
	_ =	sdelay $0x4  }
0x78: {  	v52 =	vshll.u32 v3, $0x3  }
0x79: {  	v3 =	vand.u32 $0x7, v3;
	v4 =	vand.u32 $0xFFFFFFC0, v52  }
0x7a: {  	v3 =	vor.u32 v3, v4  }
0x7b: {  	v4 =	vperm.xlane v3, v0;
	_ =	sdelay $0x1  }
0x7c: {  	v4 =	vadd.s32 v1, v4;
	_ =	sdelay $0x4  }
0x7d: {  	[tilespmem:s19], [sflag:$0x1] =	stream.indirect_vreg.gather [hbm4b:s1+s3], $0x80, v4, vm0, $0xb8;
	[tilespmem:$0x10400] =	vst v63  }
0x7e: {  	s22 =	simm.s32 $0xC00;
	v3 =	vperm.xlane v3, v2  }
0x7f: {  	[tilespmem:s22], [sflag:$0x1] =	stream.indirect_vreg.gather [hbm4b:s5+s3], $0x80, v4, vm0, $0xb8;
	[tilespmem:$0x10400] =	vst v63  }
0x80: {  	s23 =	simm.s32 $0x1400;
	v3 =	vadd.s32 v1, v3  }
0x81: {  	[tilespmem:s23], [sflag:$0x1] =	stream.indirect_vreg.gather [hbm4b:s6+s3], $0x80, v4, vm0, $0xb8;
	[tilespmem:$0x10400] =	vst v63  }
0x82: {  	s24 =	simm.s32 $0x1C00  }
0x83: {  	[tilespmem:s24], [sflag:$0x1] =	stream.indirect_vreg.gather [hbm4b:s7+s3], $0x80, v4, vm0, $0xb8;
	[tilespmem:$0x10400] =	vst v63  }
0x84: {  	s25 =	simm.s32 $0x2400  }
0x85: {  	[tilespmem:s25], [sflag:$0x1] =	stream.indirect_vreg.gather [hbm4b:s1+s3], $0x80, v3, vm0, $0xb8;
	[tilespmem:$0x10400] =	vst v63  }
0x86: {  	s29 =	simm.s32 $0x2C00  }
0x87: {  	[tilespmem:s29], [sflag:$0x1] =	stream.indirect_vreg.gather [hbm4b:s5+s3], $0x80, v3, vm0, $0xb8;
	[tilespmem:$0x10400] =	vst v63  }
0x88: {  	s30 =	simm.s32 $0x3400  }
0x89: {  	[tilespmem:s30], [sflag:$0x1] =	stream.indirect_vreg.gather [hbm4b:s6+s3], $0x80, v3, vm0, $0xb8;
	[tilespmem:$0x10400] =	vst v63  }
0x8a: {  	s31 =	simm.s32 $0x3C00  }
0x8b: {  	[tilespmem:s31], [sflag:$0x1] =	stream.indirect_vreg.gather [hbm4b:s7+s3], $0x80, v3, vm0, $0xb8;
	[tilespmem:$0x10400] =	vst v63  }
0x8c: {  	v3 =	vld [tilespmem:$0x110];
	_ =	sdelay $0x4  }
0x8d: {  	v53 =	vshll.u32 v3, $0x3  }
0x8e: {  	v3 =	vand.u32 $0x7, v3;
	v4 =	vand.u32 $0xFFFFFFC0, v53  }
0x8f: {  	v3 =	vor.u32 v3, v4  }
0x90: {  	v4 =	vperm.xlane v3, v0;
	_ =	sdelay $0x1  }
0x91: {  	v4 =	vadd.s32 v1, v4;
	_ =	sdelay $0x3  }
0x92: {  	s17 =	simm.s32 $0x4400  }
0x93: {  	[tilespmem:s17], [sflag:$0x1] =	stream.indirect_vreg.gather [hbm4b:s1+s3], $0x80, v4, vm0, $0xb8;
	[tilespmem:$0x10400] =	vst v63  }
0x94: {  	s16 =	simm.s32 $0x4C00;
	v3 =	vperm.xlane v3, v2  }
0x95: {  	[tilespmem:s16], [sflag:$0x1] =	stream.indirect_vreg.gather [hbm4b:s5+s3], $0x80, v4, vm0, $0xb8;
	[tilespmem:$0x10400] =	vst v63  }
0x96: {  	s14 =	simm.s32 $0x5400;
	v3 =	vadd.s32 v1, v3  }
0x97: {  	[tilespmem:s14], [sflag:$0x1] =	stream.indirect_vreg.gather [hbm4b:s6+s3], $0x80, v4, vm0, $0xb8;
	[tilespmem:$0x10400] =	vst v63  }
0x98: {  	s14 =	simm.s32 $0x5C00  }
0x99: {  	[tilespmem:s14], [sflag:$0x1] =	stream.indirect_vreg.gather [hbm4b:s7+s3], $0x80, v4, vm0, $0xb8;
	[tilespmem:$0x10400] =	vst v63  }
0x9a: {  	s15 =	simm.s32 $0x6400  }
0x9b: {  	[tilespmem:s15], [sflag:$0x1] =	stream.indirect_vreg.gather [hbm4b:s1+s3], $0x80, v3, vm0, $0xb8;
	[tilespmem:$0x10400] =	vst v63  }
0x9c: {  	s16 =	simm.s32 $0x6C00  }
0x9d: {  	[tilespmem:s16], [sflag:$0x1] =	stream.indirect_vreg.gather [hbm4b:s5+s3], $0x80, v3, vm0, $0xb8;
	[tilespmem:$0x10400] =	vst v63  }
0x9e: {  	s17 =	simm.s32 $0x7400  }
0x9f: {  	[tilespmem:s17], [sflag:$0x1] =	stream.indirect_vreg.gather [hbm4b:s6+s3], $0x80, v3, vm0, $0xb8;
	[tilespmem:$0x10400] =	vst v63  }
0xa0: {  	s13 =	simm.s32 $0x7C00  }
0xa1: {  	[tilespmem:s13], [sflag:$0x1] =	stream.indirect_vreg.gather [hbm4b:s7+s3], $0x80, v3, vm0, $0xb8;
	[tilespmem:$0x10400] =	vst v63  }
0xa2: {  	s31 =	rddreg [dreg:$0x5]  }
0xa3: {  	[hbm4b:s31+s3] =	stream.linear.scatter [tilespmem:s28], [sflag:$0x3], $0x8000, $0x38;
	[tilespmem:$0x10400] =	vst v63  }
0xa4: {  	_ =	swait.ge [sflag:s9], $0x8000  }
0xa5: {  	[sflag:s9] =	ssyncset.done $0x0  }
0xa6: {  	[sflag:s9] =	ssyncadd.s32 $0xFFFF8000  }
0xa7: {  	_ =	swait.ge [sflag:s26], $0x8000  }
0xa8: {  	[sflag:s26] =	ssyncset.done $0x0  }
0xa9: {  	[sflag:s26] =	ssyncadd.s32 $0xFFFF8000  }
0xaa: {  	v3 =	vld [tilespmem:$0x180];
	_ =	sdelay $0x4  }
0xab: {  	v54 =	vshll.u32 v3, $0x3  }
0xac: {  	v3 =	vand.u32 $0x7, v3;
	v4 =	vand.u32 $0xFFFFFFC0, v54  }
0xad: {  	v3 =	vor.u32 v3, v4  }
0xae: {  	v4 =	vperm.xlane v3, v0;
	_ =	sdelay $0x1  }
0xaf: {  	v4 =	vadd.s32 v1, v4;
	_ =	sdelay $0x4  }
0xb0: {  	[tilespmem:s28], [sflag:$0x2] =	stream.indirect_vreg.gather [hbm4b:s1+s3], $0x80, v4, vm0, $0xb8;
	[tilespmem:$0x10400] =	vst v63  }
0xb1: {  	s10 =	simm.s32 $0x8C00;
	v3 =	vperm.xlane v3, v2  }
0xb2: {  	[tilespmem:s10], [sflag:$0x2] =	stream.indirect_vreg.gather [hbm4b:s5+s3], $0x80, v4, vm0, $0xb8;
	[tilespmem:$0x10400] =	vst v63  }
0xb3: {  	s2 =	simm.s32 $0x9400;
	v3 =	vadd.s32 v1, v3  }
0xb4: {  	[tilespmem:s2], [sflag:$0x2] =	stream.indirect_vreg.gather [hbm4b:s6+s3], $0x80, v4, vm0, $0xb8;
	[tilespmem:$0x10400] =	vst v63  }
0xb5: {  	s4 =	simm.s32 $0x9C00  }
0xb6: {  	[tilespmem:s4], [sflag:$0x2] =	stream.indirect_vreg.gather [hbm4b:s7+s3], $0x80, v4, vm0, $0xb8;
	[tilespmem:$0x10400] =	vst v63  }
0xb7: {  	s0 =	simm.s32 $0xA400  }
0xb8: {  	[tilespmem:s0], [sflag:$0x2] =	stream.indirect_vreg.gather [hbm4b:s1+s3], $0x80, v3, vm0, $0xb8;
	[tilespmem:$0x10400] =	vst v63  }
0xb9: {  	s0 =	simm.s32 $0xAC00  }
0xba: {  	[tilespmem:s0], [sflag:$0x2] =	stream.indirect_vreg.gather [hbm4b:s5+s3], $0x80, v3, vm0, $0xb8;
	[tilespmem:$0x10400] =	vst v63  }
0xbb: {  	s2 =	simm.s32 $0xB400  }
0xbc: {  	[tilespmem:s2], [sflag:$0x2] =	stream.indirect_vreg.gather [hbm4b:s6+s3], $0x80, v3, vm0, $0xb8;
	[tilespmem:$0x10400] =	vst v63  }
0xbd: {  	s11 =	simm.s32 $0xBC00  }
0xbe: {  	[tilespmem:s11], [sflag:$0x2] =	stream.indirect_vreg.gather [hbm4b:s7+s3], $0x80, v3, vm0, $0xb8;
	[tilespmem:$0x10400] =	vst v63  }
0xbf: {  	v3 =	vld [tilespmem:$0x190];
	_ =	sdelay $0x4  }
0xc0: {  	v55 =	vshll.u32 v3, $0x3  }
0xc1: {  	v3 =	vand.u32 $0x7, v3;
	v4 =	vand.u32 $0xFFFFFFC0, v55  }
0xc2: {  	v3 =	vor.u32 v3, v4  }
0xc3: {  	v4 =	vperm.xlane v3, v0;
	_ =	sdelay $0x1  }
0xc4: {  	v4 =	vadd.s32 v1, v4;
	_ =	sdelay $0x3  }
0xc5: {  	s12 =	simm.s32 $0xC400  }
0xc6: {  	[tilespmem:s12], [sflag:$0x2] =	stream.indirect_vreg.gather [hbm4b:s1+s3], $0x80, v4, vm0, $0xb8;
	[tilespmem:$0x10400] =	vst v63  }
0xc7: {  	s13 =	simm.s32 $0xCC00;
	v3 =	vperm.xlane v3, v2  }
0xc8: {  	[tilespmem:s13], [sflag:$0x2] =	stream.indirect_vreg.gather [hbm4b:s5+s3], $0x80, v4, vm0, $0xb8;
	[tilespmem:$0x10400] =	vst v63  }
0xc9: {  	s4 =	simm.s32 $0xD400;
	v3 =	vadd.s32 v1, v3  }
0xca: {  	[tilespmem:s4], [sflag:$0x2] =	stream.indirect_vreg.gather [hbm4b:s6+s3], $0x80, v4, vm0, $0xb8;
	[tilespmem:$0x10400] =	vst v63  }
0xcb: {  	s10 =	simm.s32 $0xDC00  }
0xcc: {  	[tilespmem:s10], [sflag:$0x2] =	stream.indirect_vreg.gather [hbm4b:s7+s3], $0x80, v4, vm0, $0xb8;
	[tilespmem:$0x10400] =	vst v63  }
0xcd: {  	s11 =	simm.s32 $0xE400  }
0xce: {  	[tilespmem:s11], [sflag:$0x2] =	stream.indirect_vreg.gather [hbm4b:s1+s3], $0x80, v3, vm0, $0xb8;
	[tilespmem:$0x10400] =	vst v63  }
0xcf: {  	s12 =	simm.s32 $0xEC00  }
0xd0: {  	[tilespmem:s12], [sflag:$0x2] =	stream.indirect_vreg.gather [hbm4b:s5+s3], $0x80, v3, vm0, $0xb8;
	[tilespmem:$0x10400] =	vst v63  }
0xd1: {  	s18 =	simm.s32 $0xF400  }
0xd2: {  	[tilespmem:s18], [sflag:$0x2] =	stream.indirect_vreg.gather [hbm4b:s6+s3], $0x80, v3, vm0, $0xb8;
	[tilespmem:$0x10400] =	vst v63  }
0xd3: {  	s23 =	simm.s32 $0xFC00  }
0xd4: {  	[tilespmem:s23], [sflag:$0x2] =	stream.indirect_vreg.gather [hbm4b:s7+s3], $0x80, v3, vm0, $0xb8;
	[tilespmem:$0x10400] =	vst v63  }
0xd5: {  	s21 =	rddreg [dreg:$0x6]  }
0xd6: {  	[hbm4b:s21+s3] =	stream.linear.scatter [tilespmem:s19], [sflag:$0x3], $0x8000, $0x38;
	[tilespmem:$0x10400] =	vst v63  }
0xd7: {  	_ =	swait.ge [sflag:s9], $0x8000  }
0xd8: {  	[sflag:s9] =	ssyncset.done $0x0  }
0xd9: {  	[sflag:s9] =	ssyncadd.s32 $0xFFFF8000  }
0xda: {  	_ =	swait.ge [sflag:s20], $0x8000  }
0xdb: {  	[sflag:s20] =	ssyncset.done $0x0  }
0xdc: {  	[sflag:s20] =	ssyncadd.s32 $0xFFFF8000  }
0xdd: {  	v3 =	vld [tilespmem:$0x200];
	_ =	sdelay $0x4  }
0xde: {  	v56 =	vshll.u32 v3, $0x3  }
0xdf: {  	v3 =	vand.u32 $0x7, v3;
	v4 =	vand.u32 $0xFFFFFFC0, v56  }
0xe0: {  	v3 =	vor.u32 v3, v4  }
0xe1: {  	v4 =	vperm.xlane v3, v0;
	_ =	sdelay $0x1  }
0xe2: {  	v4 =	vadd.s32 v1, v4;
	_ =	sdelay $0x4  }
0xe3: {  	[tilespmem:s19], [sflag:$0x1] =	stream.indirect_vreg.gather [hbm4b:s1+s3], $0x80, v4, vm0, $0xb8;
	[tilespmem:$0x10400] =	vst v63  }
0xe4: {  	s21 =	simm.s32 $0xC00;
	v3 =	vperm.xlane v3, v2  }
0xe5: {  	[tilespmem:s21], [sflag:$0x1] =	stream.indirect_vreg.gather [hbm4b:s5+s3], $0x80, v4, vm0, $0xb8;
	[tilespmem:$0x10400] =	vst v63  }
0xe6: {  	v3 =	vadd.s32 v1, v3;
	s21 =	simm.s32 $0x1400  }
0xe7: {  	[tilespmem:s21], [sflag:$0x1] =	stream.indirect_vreg.gather [hbm4b:s6+s3], $0x80, v4, vm0, $0xb8;
	[tilespmem:$0x10400] =	vst v63  }
0xe8: {  	s21 =	simm.s32 $0x1C00  }
0xe9: {  	[tilespmem:s21], [sflag:$0x1] =	stream.indirect_vreg.gather [hbm4b:s7+s3], $0x80, v4, vm0, $0xb8;
	[tilespmem:$0x10400] =	vst v63  }
0xea: {  	s21 =	simm.s32 $0x2400  }
0xeb: {  	[tilespmem:s21], [sflag:$0x1] =	stream.indirect_vreg.gather [hbm4b:s1+s3], $0x80, v3, vm0, $0xb8;
	[tilespmem:$0x10400] =	vst v63  }
0xec: {  	s21 =	simm.s32 $0x2C00  }
0xed: {  	[tilespmem:s21], [sflag:$0x1] =	stream.indirect_vreg.gather [hbm4b:s5+s3], $0x80, v3, vm0, $0xb8;
	[tilespmem:$0x10400] =	vst v63  }
0xee: {  	s21 =	simm.s32 $0x3400  }
0xef: {  	[tilespmem:s21], [sflag:$0x1] =	stream.indirect_vreg.gather [hbm4b:s6+s3], $0x80, v3, vm0, $0xb8;
	[tilespmem:$0x10400] =	vst v63  }
0xf0: {  	s21 =	simm.s32 $0x3C00  }
0xf1: {  	[tilespmem:s21], [sflag:$0x1] =	stream.indirect_vreg.gather [hbm4b:s7+s3], $0x80, v3, vm0, $0xb8;
	[tilespmem:$0x10400] =	vst v63  }
0xf2: {  	v3 =	vld [tilespmem:$0x210];
	_ =	sdelay $0x4  }
0xf3: {  	v57 =	vshll.u32 v3, $0x3  }
0xf4: {  	v3 =	vand.u32 $0x7, v3;
	v4 =	vand.u32 $0xFFFFFFC0, v57  }
0xf5: {  	v3 =	vor.u32 v3, v4  }
0xf6: {  	v4 =	vperm.xlane v3, v0;
	_ =	sdelay $0x1  }
0xf7: {  	v4 =	vadd.s32 v1, v4;
	_ =	sdelay $0x3  }
0xf8: {  	s21 =	simm.s32 $0x4400  }
0xf9: {  	[tilespmem:s21], [sflag:$0x1] =	stream.indirect_vreg.gather [hbm4b:s1+s3], $0x80, v4, vm0, $0xb8;
	[tilespmem:$0x10400] =	vst v63  }
0xfa: {  	s22 =	simm.s32 $0x4C00;
	v3 =	vperm.xlane v3, v2  }
0xfb: {  	[tilespmem:s22], [sflag:$0x1] =	stream.indirect_vreg.gather [hbm4b:s5+s3], $0x80, v4, vm0, $0xb8;
	[tilespmem:$0x10400] =	vst v63  }
0xfc: {  	v3 =	vadd.s32 v1, v3;
	s22 =	simm.s32 $0x5400  }
0xfd: {  	[tilespmem:s22], [sflag:$0x1] =	stream.indirect_vreg.gather [hbm4b:s6+s3], $0x80, v4, vm0, $0xb8;
	[tilespmem:$0x10400] =	vst v63  }
0xfe: {  	_ = 	snop  }
0xff: {  	[tilespmem:s14], [sflag:$0x1] =	stream.indirect_vreg.gather [hbm4b:s7+s3], $0x80, v4, vm0, $0xb8;
	[tilespmem:$0x10400] =	vst v63  }
0x100: {  	_ = 	snop  }
0x101: {  	[tilespmem:s15], [sflag:$0x1] =	stream.indirect_vreg.gather [hbm4b:s1+s3], $0x80, v3, vm0, $0xb8;
	[tilespmem:$0x10400] =	vst v63  }
0x102: {  	_ = 	snop  }
0x103: {  	[tilespmem:s16], [sflag:$0x1] =	stream.indirect_vreg.gather [hbm4b:s5+s3], $0x80, v3, vm0, $0xb8;
	[tilespmem:$0x10400] =	vst v63  }
0x104: {  	_ = 	snop  }
0x105: {  	[tilespmem:s17], [sflag:$0x1] =	stream.indirect_vreg.gather [hbm4b:s6+s3], $0x80, v3, vm0, $0xb8;
	[tilespmem:$0x10400] =	vst v63  }
0x106: {  	s18 =	simm.s32 $0x7C00  }
0x107: {  	[tilespmem:s18], [sflag:$0x1] =	stream.indirect_vreg.gather [hbm4b:s7+s3], $0x80, v3, vm0, $0xb8;
	[tilespmem:$0x10400] =	vst v63  }
0x108: {  	s21 =	rddreg [dreg:$0x7]  }
0x109: {  	[hbm4b:s21+s3] =	stream.linear.scatter [tilespmem:s28], [sflag:$0x3], $0x8000, $0x38;
	[tilespmem:$0x10400] =	vst v63  }
0x10a: {  	_ =	swait.ge [sflag:s9], $0x8000  }
0x10b: {  	[sflag:s9] =	ssyncset.done $0x0  }
0x10c: {  	[sflag:s9] =	ssyncadd.s32 $0xFFFF8000  }
0x10d: {  	_ =	swait.ge [sflag:s26], $0x8000  }
0x10e: {  	[sflag:s26] =	ssyncset.done $0x0  }
0x10f: {  	[sflag:s26] =	ssyncadd.s32 $0xFFFF8000  }
0x110: {  	v3 =	vld [tilespmem:$0x280];
	_ =	sdelay $0x4  }
0x111: {  	v58 =	vshll.u32 v3, $0x3  }
0x112: {  	v3 =	vand.u32 $0x7, v3;
	v4 =	vand.u32 $0xFFFFFFC0, v58  }
0x113: {  	v3 =	vor.u32 v3, v4  }
0x114: {  	v4 =	vperm.xlane v3, v0;
	_ =	sdelay $0x1  }
0x115: {  	v4 =	vadd.s32 v1, v4;
	_ =	sdelay $0x4  }
0x116: {  	[tilespmem:s28], [sflag:$0x2] =	stream.indirect_vreg.gather [hbm4b:s1+s3], $0x80, v4, vm0, $0xb8;
	[tilespmem:$0x10400] =	vst v63  }
0x117: {  	s30 =	simm.s32 $0x8C00;
	v3 =	vperm.xlane v3, v2  }
0x118: {  	[tilespmem:s30], [sflag:$0x2] =	stream.indirect_vreg.gather [hbm4b:s5+s3], $0x80, v4, vm0, $0xb8;
	[tilespmem:$0x10400] =	vst v63  }
0x119: {  	s25 =	simm.s32 $0x9400;
	v3 =	vadd.s32 v1, v3  }
0x11a: {  	[tilespmem:s25], [sflag:$0x2] =	stream.indirect_vreg.gather [hbm4b:s6+s3], $0x80, v4, vm0, $0xb8;
	[tilespmem:$0x10400] =	vst v63  }
0x11b: {  	s29 =	simm.s32 $0x9C00  }
0x11c: {  	[tilespmem:s29], [sflag:$0x2] =	stream.indirect_vreg.gather [hbm4b:s7+s3], $0x80, v4, vm0, $0xb8;
	[tilespmem:$0x10400] =	vst v63  }
0x11d: {  	s29 =	simm.s32 $0xA400  }
0x11e: {  	[tilespmem:s29], [sflag:$0x2] =	stream.indirect_vreg.gather [hbm4b:s1+s3], $0x80, v3, vm0, $0xb8;
	[tilespmem:$0x10400] =	vst v63  }
0x11f: {  	_ = 	snop  }
0x120: {  	[tilespmem:s0], [sflag:$0x2] =	stream.indirect_vreg.gather [hbm4b:s5+s3], $0x80, v3, vm0, $0xb8;
	[tilespmem:$0x10400] =	vst v63  }
0x121: {  	_ = 	snop  }
0x122: {  	[tilespmem:s2], [sflag:$0x2] =	stream.indirect_vreg.gather [hbm4b:s6+s3], $0x80, v3, vm0, $0xb8;
	[tilespmem:$0x10400] =	vst v63  }
0x123: {  	s31 =	simm.s32 $0xBC00  }
0x124: {  	[tilespmem:s31], [sflag:$0x2] =	stream.indirect_vreg.gather [hbm4b:s7+s3], $0x80, v3, vm0, $0xb8;
	[tilespmem:$0x10400] =	vst v63  }
0x125: {  	v3 =	vld [tilespmem:$0x290];
	_ =	sdelay $0x4  }
0x126: {  	v59 =	vshll.u32 v3, $0x3  }
0x127: {  	v3 =	vand.u32 $0x7, v3;
	v4 =	vand.u32 $0xFFFFFFC0, v59  }
0x128: {  	v3 =	vor.u32 v3, v4  }
0x129: {  	v4 =	vperm.xlane v3, v0;
	_ =	sdelay $0x1  }
0x12a: {  	v4 =	vadd.s32 v1, v4;
	_ =	sdelay $0x3  }
0x12b: {  	s31 =	simm.s32 $0xC400  }
0x12c: {  	[tilespmem:s31], [sflag:$0x2] =	stream.indirect_vreg.gather [hbm4b:s1+s3], $0x80, v4, vm0, $0xb8;
	[tilespmem:$0x10400] =	vst v63  }
0x12d: {  	v3 =	vperm.xlane v3, v2  }
0x12e: {  	[tilespmem:s13], [sflag:$0x2] =	stream.indirect_vreg.gather [hbm4b:s5+s3], $0x80, v4, vm0, $0xb8;
	[tilespmem:$0x10400] =	vst v63  }
0x12f: {  	v3 =	vadd.s32 v1, v3  }
0x130: {  	[tilespmem:s4], [sflag:$0x2] =	stream.indirect_vreg.gather [hbm4b:s6+s3], $0x80, v4, vm0, $0xb8;
	[tilespmem:$0x10400] =	vst v63  }
0x131: {  	_ = 	snop  }
0x132: {  	[tilespmem:s10], [sflag:$0x2] =	stream.indirect_vreg.gather [hbm4b:s7+s3], $0x80, v4, vm0, $0xb8;
	[tilespmem:$0x10400] =	vst v63  }
0x133: {  	_ = 	snop  }
0x134: {  	[tilespmem:s11], [sflag:$0x2] =	stream.indirect_vreg.gather [hbm4b:s1+s3], $0x80, v3, vm0, $0xb8;
	[tilespmem:$0x10400] =	vst v63  }
0x135: {  	_ = 	snop  }
0x136: {  	[tilespmem:s12], [sflag:$0x2] =	stream.indirect_vreg.gather [hbm4b:s5+s3], $0x80, v3, vm0, $0xb8;
	[tilespmem:$0x10400] =	vst v63  }
0x137: {  	s24 =	simm.s32 $0xF400  }
0x138: {  	[tilespmem:s24], [sflag:$0x2] =	stream.indirect_vreg.gather [hbm4b:s6+s3], $0x80, v3, vm0, $0xb8;
	[tilespmem:$0x10400] =	vst v63  }
0x139: {  	s23 =	simm.s32 $0xFC00  }
0x13a: {  	[tilespmem:s23], [sflag:$0x2] =	stream.indirect_vreg.gather [hbm4b:s7+s3], $0x80, v3, vm0, $0xb8;
	[tilespmem:$0x10400] =	vst v63  }
0x13b: {  	s21 =	rddreg [dreg:$0x8]  }
0x13c: {  	[hbm4b:s21+s3] =	stream.linear.scatter [tilespmem:s19], [sflag:$0x3], $0x8000, $0x38;
	[tilespmem:$0x10400] =	vst v63  }
0x13d: {  	_ =	swait.ge [sflag:s9], $0x8000  }
0x13e: {  	[sflag:s9] =	ssyncset.done $0x0  }
0x13f: {  	[sflag:s9] =	ssyncadd.s32 $0xFFFF8000  }
0x140: {  	_ =	swait.ge [sflag:s20], $0x8000  }
0x141: {  	[sflag:s20] =	ssyncset.done $0x0  }
0x142: {  	[sflag:s20] =	ssyncadd.s32 $0xFFFF8000  }
0x143: {  	v3 =	vld [tilespmem:$0x300];
	_ =	sdelay $0x4  }
0x144: {  	v60 =	vshll.u32 v3, $0x3  }
0x145: {  	v3 =	vand.u32 $0x7, v3;
	v4 =	vand.u32 $0xFFFFFFC0, v60  }
0x146: {  	v3 =	vor.u32 v3, v4  }
0x147: {  	v4 =	vperm.xlane v3, v0;
	_ =	sdelay $0x1  }
0x148: {  	v4 =	vadd.s32 v1, v4;
	_ =	sdelay $0x4  }
0x149: {  	[tilespmem:s19], [sflag:$0x1] =	stream.indirect_vreg.gather [hbm4b:s1+s3], $0x80, v4, vm0, $0xb8;
	[tilespmem:$0x10400] =	vst v63  }
0x14a: {  	s21 =	simm.s32 $0xC00;
	v3 =	vperm.xlane v3, v2  }
0x14b: {  	[tilespmem:s21], [sflag:$0x1] =	stream.indirect_vreg.gather [hbm4b:s5+s3], $0x80, v4, vm0, $0xb8;
	[tilespmem:$0x10400] =	vst v63  }
0x14c: {  	v3 =	vadd.s32 v1, v3;
	s21 =	simm.s32 $0x1400  }
0x14d: {  	[tilespmem:s21], [sflag:$0x1] =	stream.indirect_vreg.gather [hbm4b:s6+s3], $0x80, v4, vm0, $0xb8;
	[tilespmem:$0x10400] =	vst v63  }
0x14e: {  	s21 =	simm.s32 $0x1C00  }
0x14f: {  	[tilespmem:s21], [sflag:$0x1] =	stream.indirect_vreg.gather [hbm4b:s7+s3], $0x80, v4, vm0, $0xb8;
	[tilespmem:$0x10400] =	vst v63  }
0x150: {  	s21 =	simm.s32 $0x2400  }
0x151: {  	[tilespmem:s21], [sflag:$0x1] =	stream.indirect_vreg.gather [hbm4b:s1+s3], $0x80, v3, vm0, $0xb8;
	[tilespmem:$0x10400] =	vst v63  }
0x152: {  	s21 =	simm.s32 $0x2C00  }
0x153: {  	[tilespmem:s21], [sflag:$0x1] =	stream.indirect_vreg.gather [hbm4b:s5+s3], $0x80, v3, vm0, $0xb8;
	[tilespmem:$0x10400] =	vst v63  }
0x154: {  	s21 =	simm.s32 $0x3400  }
0x155: {  	[tilespmem:s21], [sflag:$0x1] =	stream.indirect_vreg.gather [hbm4b:s6+s3], $0x80, v3, vm0, $0xb8;
	[tilespmem:$0x10400] =	vst v63  }
0x156: {  	s21 =	simm.s32 $0x3C00  }
0x157: {  	[tilespmem:s21], [sflag:$0x1] =	stream.indirect_vreg.gather [hbm4b:s7+s3], $0x80, v3, vm0, $0xb8;
	[tilespmem:$0x10400] =	vst v63  }
0x158: {  	v3 =	vld [tilespmem:$0x310];
	_ =	sdelay $0x4  }
0x159: {  	v61 =	vshll.u32 v3, $0x3  }
0x15a: {  	v3 =	vand.u32 $0x7, v3;
	v4 =	vand.u32 $0xFFFFFFC0, v61  }
0x15b: {  	v3 =	vor.u32 v3, v4  }
0x15c: {  	v4 =	vperm.xlane v3, v0;
	_ =	sdelay $0x1  }
0x15d: {  	v4 =	vadd.s32 v1, v4;
	_ =	sdelay $0x3  }
0x15e: {  	s21 =	simm.s32 $0x4400  }
0x15f: {  	[tilespmem:s21], [sflag:$0x1] =	stream.indirect_vreg.gather [hbm4b:s1+s3], $0x80, v4, vm0, $0xb8;
	[tilespmem:$0x10400] =	vst v63  }
0x160: {  	v3 =	vperm.xlane v3, v2;
	s21 =	simm.s32 $0x4C00  }
0x161: {  	[tilespmem:s21], [sflag:$0x1] =	stream.indirect_vreg.gather [hbm4b:s5+s3], $0x80, v4, vm0, $0xb8;
	[tilespmem:$0x10400] =	vst v63  }
0x162: {  	s22 =	simm.s32 $0x5400;
	v3 =	vadd.s32 v1, v3  }
0x163: {  	[tilespmem:s22], [sflag:$0x1] =	stream.indirect_vreg.gather [hbm4b:s6+s3], $0x80, v4, vm0, $0xb8;
	[tilespmem:$0x10400] =	vst v63  }
0x164: {  	s14 =	simm.s32 $0x5C00  }
0x165: {  	[tilespmem:s14], [sflag:$0x1] =	stream.indirect_vreg.gather [hbm4b:s7+s3], $0x80, v4, vm0, $0xb8;
	[tilespmem:$0x10400] =	vst v63  }
0x166: {  	s15 =	simm.s32 $0x6400  }
0x167: {  	[tilespmem:s15], [sflag:$0x1] =	stream.indirect_vreg.gather [hbm4b:s1+s3], $0x80, v3, vm0, $0xb8;
	[tilespmem:$0x10400] =	vst v63  }
0x168: {  	s16 =	simm.s32 $0x6C00  }
0x169: {  	[tilespmem:s16], [sflag:$0x1] =	stream.indirect_vreg.gather [hbm4b:s5+s3], $0x80, v3, vm0, $0xb8;
	[tilespmem:$0x10400] =	vst v63  }
0x16a: {  	s17 =	simm.s32 $0x7400  }
0x16b: {  	[tilespmem:s17], [sflag:$0x1] =	stream.indirect_vreg.gather [hbm4b:s6+s3], $0x80, v3, vm0, $0xb8;
	[tilespmem:$0x10400] =	vst v63  }
0x16c: {  	s22 =	simm.s32 $0x7C00  }
0x16d: {  	[tilespmem:s22], [sflag:$0x1] =	stream.indirect_vreg.gather [hbm4b:s7+s3], $0x80, v3, vm0, $0xb8;
	[tilespmem:$0x10400] =	vst v63  }
0x16e: {  	s17 =	rddreg [dreg:$0x9]  }
0x16f: {  	[hbm4b:s17+s3] =	stream.linear.scatter [tilespmem:s28], [sflag:$0x3], $0x8000, $0x38;
	[tilespmem:$0x10400] =	vst v63  }
0x170: {  	_ =	swait.ge [sflag:s9], $0x8000  }
0x171: {  	[sflag:s9] =	ssyncset.done $0x0  }
0x172: {  	[sflag:s9] =	ssyncadd.s32 $0xFFFF8000  }
0x173: {  	_ =	swait.ge [sflag:s26], $0x8000  }
0x174: {  	[sflag:s26] =	ssyncset.done $0x0  }
0x175: {  	[sflag:s26] =	ssyncadd.s32 $0xFFFF8000  }
0x176: {  	v3 =	vld [tilespmem:$0x380];
	_ =	sdelay $0x4  }
0x177: {  	v62 =	vshll.u32 v3, $0x3  }
0x178: {  	v3 =	vand.u32 $0x7, v3;
	v4 =	vand.u32 $0xFFFFFFC0, v62  }
0x179: {  	v3 =	vor.u32 v3, v4  }
0x17a: {  	v4 =	vperm.xlane v3, v0;
	_ =	sdelay $0x1  }
0x17b: {  	v4 =	vadd.s32 v1, v4;
	_ =	sdelay $0x4  }
0x17c: {  	[tilespmem:s28], [sflag:$0x2] =	stream.indirect_vreg.gather [hbm4b:s1+s3], $0x80, v4, vm0, $0xb8;
	[tilespmem:$0x10400] =	vst v63  }
0x17d: {  	s30 =	simm.s32 $0x8C00;
	v3 =	vperm.xlane v3, v2  }
0x17e: {  	[tilespmem:s30], [sflag:$0x2] =	stream.indirect_vreg.gather [hbm4b:s5+s3], $0x80, v4, vm0, $0xb8;
	[tilespmem:$0x10400] =	vst v63  }
0x17f: {  	s25 =	simm.s32 $0x9400;
	v3 =	vadd.s32 v1, v3  }
0x180: {  	[tilespmem:s25], [sflag:$0x2] =	stream.indirect_vreg.gather [hbm4b:s6+s3], $0x80, v4, vm0, $0xb8;
	[tilespmem:$0x10400] =	vst v63  }
0x181: {  	s25 =	simm.s32 $0x9C00  }
0x182: {  	[tilespmem:s25], [sflag:$0x2] =	stream.indirect_vreg.gather [hbm4b:s7+s3], $0x80, v4, vm0, $0xb8;
	[tilespmem:$0x10400] =	vst v63  }
0x183: {  	s18 =	simm.s32 $0xA400  }
0x184: {  	[tilespmem:s18], [sflag:$0x2] =	stream.indirect_vreg.gather [hbm4b:s1+s3], $0x80, v3, vm0, $0xb8;
	[tilespmem:$0x10400] =	vst v63  }
0x185: {  	s0 =	simm.s32 $0xAC00  }
0x186: {  	[tilespmem:s0], [sflag:$0x2] =	stream.indirect_vreg.gather [hbm4b:s5+s3], $0x80, v3, vm0, $0xb8;
	[tilespmem:$0x10400] =	vst v63  }
0x187: {  	s2 =	simm.s32 $0xB400  }
0x188: {  	[tilespmem:s2], [sflag:$0x2] =	stream.indirect_vreg.gather [hbm4b:s6+s3], $0x80, v3, vm0, $0xb8;
	[tilespmem:$0x10400] =	vst v63  }
0x189: {  	s29 =	simm.s32 $0xBC00  }
0x18a: {  	[tilespmem:s29], [sflag:$0x2] =	stream.indirect_vreg.gather [hbm4b:s7+s3], $0x80, v3, vm0, $0xb8;
	[tilespmem:$0x10400] =	vst v63  }
0x18b: {  	v3 =	vld [tilespmem:$0x390];
	_ =	sdelay $0x4  }
0x18c: {  	v63 =	vshll.u32 v3, $0x3  }
0x18d: {  	v3 =	vand.u32 $0x7, v3;
	v4 =	vand.u32 $0xFFFFFFC0, v63  }
0x18e: {  	v3 =	vor.u32 v3, v4  }
0x18f: {  	v4 =	vperm.xlane v3, v0;
	_ =	sdelay $0x1  }
0x190: {  	v4 =	vadd.s32 v1, v4;
	_ =	sdelay $0x3  }
0x191: {  	s31 =	simm.s32 $0xC400  }
0x192: {  	[tilespmem:s31], [sflag:$0x2] =	stream.indirect_vreg.gather [hbm4b:s1+s3], $0x80, v4, vm0, $0xb8;
	[tilespmem:$0x10400] =	vst v63  }
0x193: {  	s13 =	simm.s32 $0xCC00;
	v3 =	vperm.xlane v3, v2  }
0x194: {  	[tilespmem:s13], [sflag:$0x2] =	stream.indirect_vreg.gather [hbm4b:s5+s3], $0x80, v4, vm0, $0xb8;
	[tilespmem:$0x10400] =	vst v63  }
0x195: {  	s4 =	simm.s32 $0xD400;
	v3 =	vadd.s32 v1, v3  }
0x196: {  	[tilespmem:s4], [sflag:$0x2] =	stream.indirect_vreg.gather [hbm4b:s6+s3], $0x80, v4, vm0, $0xb8;
	[tilespmem:$0x10400] =	vst v63  }
0x197: {  	s10 =	simm.s32 $0xDC00  }
0x198: {  	[tilespmem:s10], [sflag:$0x2] =	stream.indirect_vreg.gather [hbm4b:s7+s3], $0x80, v4, vm0, $0xb8;
	[tilespmem:$0x10400] =	vst v63  }
0x199: {  	s11 =	simm.s32 $0xE400  }
0x19a: {  	[tilespmem:s11], [sflag:$0x2] =	stream.indirect_vreg.gather [hbm4b:s1+s3], $0x80, v3, vm0, $0xb8;
	[tilespmem:$0x10400] =	vst v63  }
0x19b: {  	s12 =	simm.s32 $0xEC00  }
0x19c: {  	[tilespmem:s12], [sflag:$0x2] =	stream.indirect_vreg.gather [hbm4b:s5+s3], $0x80, v3, vm0, $0xb8;
	[tilespmem:$0x10400] =	vst v63  }
0x19d: {  	s24 =	simm.s32 $0xF400  }
0x19e: {  	[tilespmem:s24], [sflag:$0x2] =	stream.indirect_vreg.gather [hbm4b:s6+s3], $0x80, v3, vm0, $0xb8;
	[tilespmem:$0x10400] =	vst v63  }
0x19f: {  	s23 =	simm.s32 $0xFC00  }
0x1a0: {  	[tilespmem:s23], [sflag:$0x2] =	stream.indirect_vreg.gather [hbm4b:s7+s3], $0x80, v3, vm0, $0xb8;
	[tilespmem:$0x10400] =	vst v63  }
0x1a1: {  	s30 =	rddreg [dreg:$0xa]  }
0x1a2: {  	[hbm4b:s30+s3] =	stream.linear.scatter [tilespmem:s19], [sflag:$0x3], $0x8000, $0x38;
	[tilespmem:$0x10400] =	vst v63  }
0x1a3: {  	_ =	swait.ge [sflag:s9], $0x8000  }
0x1a4: {  	[sflag:s9] =	ssyncset.done $0x0  }
0x1a5: {  	[sflag:s9] =	ssyncadd.s32 $0xFFFF8000  }
0x1a6: {  	_ =	swait.ge [sflag:s20], $0x8000  }
0x1a7: {  	p0 =	sne.s32 s8, $0x1;
	[sflag:s20] =	ssyncset.done $0x0  }
.Ltmp0:
0x1a8: {  	s31 =	rddreg [dreg:$0xb];
	[sflag:s20] =	ssyncadd.s32 $0xFFFF8000;
	(pc) =	sbr.rel @p0 .LBB2_1-.Ltmp0, $4  }
0x1a9: {  	[hbm4b:s31+s3] =	stream.linear.scatter [tilespmem:s28], [sflag:$0x3], $0x8000, $0x38;
	[tilespmem:$0x10400] =	vst v63  }
0x1aa: {  	_ =	swait.ge [sflag:s9], $0x8000  }
0x1ab: {  	[sflag:s9] =	ssyncset.done $0x0  }
0x1ac: {  	s8 =	sadd.s32 $0xFFFFFFFF, s8;
	[sflag:s9] =	ssyncadd.s32 $0xFFFF8000  }
0x1ad: {  	_ =	sfence.sel $0x180000  }
0x1ae: {  	[bflag:$0x0] =	sbarrier.arrive $0xFFFF  }
0x1af: {  	_ =	strace $0x90000047  }
0x1b0: {  	s0 =	stileid.u32;
	[bflag:$0x2] =	sbarrier.arrive $0xFFFF  }
0x1b1: {  	p0 =	sne.s32 s0, $0x0;
	s0 =	rddreg [dreg:$0x3]  }
0x1b2: {  	s0 =	sadd.s32 @!p0 $0x100000, s0  }
0x1b3: {  	[sflag:s0] =	ssyncadd.tile.s32 @!p0 $0x1;
	_ =	shalt  }
.Lfunc_end2:
_tile_overlayer_lowered:
.L_overlay_start_2:
0x1b4: {  	(tag) =	ssettag $0x2  }
0x1b5: {  	s0 =	rddreg [dreg:$0x0];
	s2 =	stileid.u32  }
0x1b6: {  	s1 =	rddreg [dreg:$0x1];
	p0 =	sne.s32 s2, $0x0  }
0x1b7: {  	s3 =	rddreg [dreg:$0x2];
	[bflag:$0x3] =	sbarrier.arrive $0xFFFF;
	s2 =	simm.s32 @!p0 $0x1C03  }
0x1b8: {  	[timem:s3], [sflag:s2] =	dma.local @!p0 [hbm:s0], s1  }
0x1b9: {  	s0 =	simm.s32 @!p0 $0x3  }
0x1ba: {  	_ =	swait.ge @!p0 [sflag:s0], s1  }
0x1bb: {  	s1 =	ssub.s32 @!p0 $0x0, s1;
	[sflag:s0] =	ssyncset.done @!p0 $0x0  }
0x1bc: {  	[sflag:s0] =	ssyncadd.s32 @!p0 s1  }
0x1bd: {  	[bflag:$0x3] =	sbarrier.arrive $0xFFFF  }
0x1be: {  	_ =	shalt  }

</sc_bundles>
